<compile_context>
chip_gen: v7x
topology: tpu7x:2x2x1
jax: 0.10.2.dev20260603
libtpu: 0.0.44.dev20260713+nightly
codegen_flags: <defaults>
</compile_context>

<pallas_src>
import functools

import jax
import jax.numpy as jnp
from jax import lax
from jax.experimental import pallas as pl
from jax.experimental.pallas import tpu as pltpu
from jax.experimental.pallas import tpu_sc as plsc

N = 1048576
N_BINS = 20
LANES = 16
NC = 2
NS = 16
NW = NC * NS
CHUNK = N // NW
VECS = CHUNK // LANES
NSUB = 4
SUB = CHUNK // NSUB
SVECS = SUB // LANES
PART = 2 * N_BINS * LANES

_mesh = plsc.VectorSubcoreMesh(core_axis_name="c", subcore_axis_name="s")
_params = pltpu.CompilerParams(needs_layout_passes=False,
                               disable_bounds_checks=True)


@functools.partial(
    pl.kernel,
    out_type=jax.ShapeDtypeStruct((NW, PART), jnp.float32),
    mesh=_mesh,
    compiler_params=_params,
    scratch_types=[
        pltpu.VMEM((CHUNK,), jnp.float32),
        pltpu.VMEM((CHUNK,), jnp.float32),
        pltpu.VMEM((PART,), jnp.float32),
        [pltpu.SemaphoreType.DMA] * 8,
    ],
)
def _phase1(confs_hbm, accs_hbm, part_hbm, conf_v, acc_v, accum, sems):
    c_id = lax.axis_index("c")
    s_id = lax.axis_index("s")
    w = c_id * NS + s_id
    base = pl.multiple_of(w * CHUNK, CHUNK)

    cps = {}
    for g in range(NSUB):
        sl_h = pl.ds(pl.multiple_of(base + g * SUB, SUB), SUB)
        sl_v = pl.ds(g * SUB, SUB)
        cps[g] = (
            pltpu.async_copy(confs_hbm.at[sl_h], conf_v.at[sl_v], sems[2 * g]),
            pltpu.async_copy(accs_hbm.at[sl_h], acc_v.at[sl_v], sems[2 * g + 1]),
        )
        if g == 0:
            for k in range(PART // LANES):
                accum[pl.ds(k * LANES, LANES)] = jnp.zeros((LANES,),
                                                           jnp.float32)

    for g in range(NSUB):
        cps[g][0].wait()
        cps[g][1].wait()

        @plsc.parallel_loop(g * SVECS, (g + 1) * SVECS, unroll=16)
        def body(i):
            lane = lax.iota(jnp.int32, LANES)
            off = pl.multiple_of(i * LANES, LANES)
            c = conf_v[pl.ds(off, LANES)]
            a = acc_v[pl.ds(off, LANES)]
            t = (c - 0.5) * 40.0
            b = jnp.clip(t.astype(jnp.int32), 0, N_BINS - 1)
            valid = c > 0.5
            idx = b * LANES + lane
            plsc.addupdate_scatter(accum, [idx], c, mask=valid)
            plsc.addupdate_scatter(accum, [idx + N_BINS * LANES], a,
                                   mask=valid)

    pltpu.sync_copy(accum, part_hbm.at[w])


def _epilogue_body(part_ref, out_ref):
    s = jnp.sum(part_ref[...], axis=0)
    ece = jnp.float32(0.0)
    for b in range(N_BINS):
        cv = jnp.sum(lax.slice(s, (b * LANES,), ((b + 1) * LANES,)))
        av = jnp.sum(lax.slice(s, ((N_BINS + b) * LANES,),
                               ((N_BINS + b + 1) * LANES,)))
        ece = ece + jnp.abs(cv - av)
    out_ref[0] = ece * jnp.float32(1.0 / N)


def _epilogue(part):
    return pl.pallas_call(
        _epilogue_body,
        out_shape=jax.ShapeDtypeStruct((1,), jnp.float32),
        out_specs=pl.BlockSpec(memory_space=pltpu.SMEM),
    )(part)


def kernel(confs, accs):
    part = _phase1(confs, accs)
    return _epilogue(part)

# --- scband reference (transcript-rebuilt; emitter-appended) ---
"""Pipeline reference for scband-eceloss-8572754723070 (READ-ONLY COPY).

The authoritative reference and input builder live on the scoring server;
editing this copy changes nothing except your own understanding.
"""

import jax, jax.numpy as jnp
import numpy as np

N = 1048576
N_BINS = 20

def setup_inputs(seed: int = 0) -> dict:
    key = jax.random.key(seed)
    k1, k2 = jax.random.split(key)
    confs = jax.random.uniform(k1, (N,), dtype=jnp.float32)
    accs = jax.random.uniform(k2, (N,), dtype=jnp.float32)
    return {"confs": confs, "accs": accs}

def reference(confs, accs):
    bin_boundaries = jnp.linspace(0.5, 1.0, N_BINS + 1)
    bin_lowers = bin_boundaries[:-1]
    bin_uppers = bin_boundaries[1:]
    ece = jnp.zeros(1, dtype=confs.dtype)
    n = confs.shape[0]
    for i in range(N_BINS):
        lo = bin_lowers[i]
        up = bin_uppers[i]
        in_bin = (confs > lo) & (confs <= up)
        in_binf = in_bin.astype(confs.dtype)
        cnt = in_binf.sum()
        prop_in_bin = in_binf.mean()
        denom = jnp.maximum(cnt, 1.0)
        accuracy_in_bin = (accs * in_binf).sum() / denom
        avg_confidence_in_bin = (confs * in_binf).sum() / denom
        contrib = jnp.abs(avg_confidence_in_bin - accuracy_in_bin) * prop_in_bin
        ece = ece + jnp.where(cnt > 0, contrib, 0.0)
    return ece

if __name__ == "__main__":
    import jax
    _d = setup_inputs()
    print(jax.jit(kernel)(*tuple(_d.values())))

</pallas_src>

<mosaic_0001>
#map = affine_map<(d0, d1) -> (0)>
#map1 = affine_map<(d0, d1) -> (0, 0)>
module attributes {stable_mosaic.version = 14 : i64} {
  func.func @_phase1(%arg0: i32, %arg1: i32, %arg2: memref<1048576xf32, #tpu.memory_space<hbm>>, %arg3: memref<1048576xf32, #tpu.memory_space<hbm>>, %arg4: memref<32x640xf32, #tpu.memory_space<hbm>>, %arg5: memref<32768xf32, #tpu.memory_space<vmem>>, %arg6: memref<32768xf32, #tpu.memory_space<vmem>>, %arg7: memref<640xf32, #tpu.memory_space<vmem>>, %arg8: memref<!tpu.dma_semaphore, #tpu.memory_space<semaphore_mem>>, %arg9: memref<!tpu.dma_semaphore, #tpu.memory_space<semaphore_mem>>, %arg10: memref<!tpu.dma_semaphore, #tpu.memory_space<semaphore_mem>>, %arg11: memref<!tpu.dma_semaphore, #tpu.memory_space<semaphore_mem>>, %arg12: memref<!tpu.dma_semaphore, #tpu.memory_space<semaphore_mem>>, %arg13: memref<!tpu.dma_semaphore, #tpu.memory_space<semaphore_mem>>, %arg14: memref<!tpu.dma_semaphore, #tpu.memory_space<semaphore_mem>>, %arg15: memref<!tpu.dma_semaphore, #tpu.memory_space<semaphore_mem>>) attributes {dimension_semantics = [#tpu.dimension_semantics<core_parallel>, #tpu.dimension_semantics<subcore_parallel>], iteration_bounds = array<i64: 2, 16>, scalar_prefetch = 0 : i64, scratch_operands = 11 : i64, tpu.core_type = #tpu.core_type<sc_vector_subcore>, window_params = [{transform_indices = #map}, {transform_indices = #map}, {transform_indices = #map1}]} {
    %mul3A = arith.constant 16 : i32
    %mul3A_0 = arith.muli %arg0, %mul3A : i32
    %add3A = arith.addi %mul3A_0, %arg1 : i32
    %mul3A_1 = arith.constant 32768 : i32
    %mul3A_2 = arith.muli %add3A, %mul3A_1 : i32
    %multiple_of3A = tpu.assume_multiple %mul3A_2, 32768 : i32
    %add3A_3 = arith.constant 0 : i32
    %add3A_4 = arith.addi %multiple_of3A, %add3A_3 : i32
    %multiple_of3A_5 = tpu.assume_multiple %add3A_4, 8192 : i32
    %dma_start3A = arith.constant 0 : i32
    %dma_start3A_6 = tpu.memref_slice %arg5[%dma_start3A] : memref<32768xf32, #tpu.memory_space<vmem>> -> memref<8192xf32, #tpu.memory_space<vmem>>
    %dma_start3A_7 = tpu.memref_slice %arg2[%multiple_of3A_5] : memref<1048576xf32, #tpu.memory_space<hbm>> -> memref<8192xf32, #tpu.memory_space<hbm>>
    %dma_start3A_8 = arith.constant 0 : i32
    %dma_start3A_9 = tpu.memref_slice %arg5[%dma_start3A_8] : memref<32768xf32, #tpu.memory_space<vmem>> -> memref<8192xf32, #tpu.memory_space<vmem>>
    %dma_start3A_10 = tpu.memref_slice %arg2[%multiple_of3A_5] : memref<1048576xf32, #tpu.memory_space<hbm>> -> memref<8192xf32, #tpu.memory_space<hbm>>
    tpu.enqueue_dma source(%dma_start3A_10 : memref<8192xf32, #tpu.memory_space<hbm>>) target(%dma_start3A_9 : memref<8192xf32, #tpu.memory_space<vmem>>) target_semaphore(%arg8 : memref<!tpu.dma_semaphore, #tpu.memory_space<semaphore_mem>>)
    %dma_start3A_11 = arith.constant 0 : i32
    %dma_start3A_12 = tpu.memref_slice %arg6[%dma_start3A_11] : memref<32768xf32, #tpu.memory_space<vmem>> -> memref<8192xf32, #tpu.memory_space<vmem>>
    %dma_start3A_13 = tpu.memref_slice %arg3[%multiple_of3A_5] : memref<1048576xf32, #tpu.memory_space<hbm>> -> memref<8192xf32, #tpu.memory_space<hbm>>
    %dma_start3A_14 = arith.constant 0 : i32
    %dma_start3A_15 = tpu.memref_slice %arg6[%dma_start3A_14] : memref<32768xf32, #tpu.memory_space<vmem>> -> memref<8192xf32, #tpu.memory_space<vmem>>
    %dma_start3A_16 = tpu.memref_slice %arg3[%multiple_of3A_5] : memref<1048576xf32, #tpu.memory_space<hbm>> -> memref<8192xf32, #tpu.memory_space<hbm>>
    tpu.enqueue_dma source(%dma_start3A_16 : memref<8192xf32, #tpu.memory_space<hbm>>) target(%dma_start3A_15 : memref<8192xf32, #tpu.memory_space<vmem>>) target_semaphore(%arg9 : memref<!tpu.dma_semaphore, #tpu.memory_space<semaphore_mem>>)
    %broadcast_in_dim3A = arith.constant 0.000000e+00 : f32
    %broadcast_in_dim3A_17 = vector.broadcast %broadcast_in_dim3A : f32 to vector<16xf32>
    %swap3A = arith.constant 0 : index
    %swap3A_18 = tpu.vector_load %arg7[%swap3A] {strides = array<i32>} : memref<640xf32, #tpu.memory_space<vmem>>, vector<16xf32>,
    tpu.vector_store %arg7[%swap3A], %broadcast_in_dim3A_17 {strides = array<i32>} : memref<640xf32, #tpu.memory_space<vmem>>, vector<16xf32>,
    %broadcast_in_dim3A_19 = arith.constant 0.000000e+00 : f32
    %broadcast_in_dim3A_20 = vector.broadcast %broadcast_in_dim3A_19 : f32 to vector<16xf32>
    %swap3A_21 = arith.constant 16 : index
    %swap3A_22 = tpu.vector_load %arg7[%swap3A_21] {strides = array<i32>} : memref<640xf32, #tpu.memory_space<vmem>>, vector<16xf32>,
    tpu.vector_store %arg7[%swap3A_21], %broadcast_in_dim3A_20 {strides = array<i32>} : memref<640xf32, #tpu.memory_space<vmem>>, vector<16xf32>,
    %broadcast_in_dim3A_23 = arith.constant 0.000000e+00 : f32
    %broadcast_in_dim3A_24 = vector.broadcast %broadcast_in_dim3A_23 : f32 to vector<16xf32>
    %swap3A_25 = arith.constant 32 : index
    %swap3A_26 = tpu.vector_load %arg7[%swap3A_25] {strides = array<i32>} : memref<640xf32, #tpu.memory_space<vmem>>, vector<16xf32>,
    tpu.vector_store %arg7[%swap3A_25], %broadcast_in_dim3A_24 {strides = array<i32>} : memref<640xf32, #tpu.memory_space<vmem>>, vector<16xf32>,
    %broadcast_in_dim3A_27 = arith.constant 0.000000e+00 : f32
    %broadcast_in_dim3A_28 = vector.broadcast %broadcast_in_dim3A_27 : f32 to vector<16xf32>
    %swap3A_29 = arith.constant 48 : index
    %swap3A_30 = tpu.vector_load %arg7[%swap3A_29] {strides = array<i32>} : memref<640xf32, #tpu.memory_space<vmem>>, vector<16xf32>,
    tpu.vector_store %arg7[%swap3A_29], %broadcast_in_dim3A_28 {strides = array<i32>} : memref<640xf32, #tpu.memory_space<vmem>>, vector<16xf32>,
    %broadcast_in_dim3A_31 = arith.constant 0.000000e+00 : f32
    %broadcast_in_dim3A_32 = vector.broadcast %broadcast_in_dim3A_31 : f32 to vector<16xf32>
    %swap3A_33 = arith.constant 64 : index
    %swap3A_34 = tpu.vector_load %arg7[%swap3A_33] {strides = array<i32>} : memref<640xf32, #tpu.memory_space<vmem>>, vector<16xf32>,
    tpu.vector_store %arg7[%swap3A_33], %broadcast_in_dim3A_32 {strides = array<i32>} : memref<640xf32, #tpu.memory_space<vmem>>, vector<16xf32>,
    %broadcast_in_dim3A_35 = arith.constant 0.000000e+00 : f32
    %broadcast_in_dim3A_36 = vector.broadcast %broadcast_in_dim3A_35 : f32 to vector<16xf32>
    %swap3A_37 = arith.constant 80 : index
    %swap3A_38 = tpu.vector_load %arg7[%swap3A_37] {strides = array<i32>} : memref<640xf32, #tpu.memory_space<vmem>>, vector<16xf32>,
    tpu.vector_store %arg7[%swap3A_37], %broadcast_in_dim3A_36 {strides = array<i32>} : memref<640xf32, #tpu.memory_space<vmem>>, vector<16xf32>,
    %broadcast_in_dim3A_39 = arith.constant 0.000000e+00 : f32
    %broadcast_in_dim3A_40 = vector.broadcast %broadcast_in_dim3A_39 : f32 to vector<16xf32>
    %swap3A_41 = arith.constant 96 : index
    %swap3A_42 = tpu.vector_load %arg7[%swap3A_41] {strides = array<i32>} : memref<640xf32, #tpu.memory_space<vmem>>, vector<16xf32>,
    tpu.vector_store %arg7[%swap3A_41], %broadcast_in_dim3A_40 {strides = array<i32>} : memref<640xf32, #tpu.memory_space<vmem>>, vector<16xf32>,
    %broadcast_in_dim3A_43 = arith.constant 0.000000e+00 : f32
    %broadcast_in_dim3A_44 = vector.broadcast %broadcast_in_dim3A_43 : f32 to vector<16xf32>
    %swap3A_45 = arith.constant 112 : index
    %swap3A_46 = tpu.vector_load %arg7[%swap3A_45] {strides = array<i32>} : memref<640xf32, #tpu.memory_space<vmem>>, vector<16xf32>,
    tpu.vector_store %arg7[%swap3A_45], %broadcast_in_dim3A_44 {strides = array<i32>} : memref<640xf32, #tpu.memory_space<vmem>>, vector<16xf32>,
    %broadcast_in_dim3A_47 = arith.constant 0.000000e+00 : f32
    %broadcast_in_dim3A_48 = vector.broadcast %broadcast_in_dim3A_47 : f32 to vector<16xf32>
    %swap3A_49 = arith.constant 128 : index
    %swap3A_50 = tpu.vector_load %arg7[%swap3A_49] {strides = array<i32>} : memref<640xf32, #tpu.memory_space<vmem>>, vector<16xf32>,
    tpu.vector_store %arg7[%swap3A_49], %broadcast_in_dim3A_48 {strides = array<i32>} : memref<640xf32, #tpu.memory_space<vmem>>, vector<16xf32>,
    %broadcast_in_dim3A_51 = arith.constant 0.000000e+00 : f32
    %broadcast_in_dim3A_52 = vector.broadcast %broadcast_in_dim3A_51 : f32 to vector<16xf32>
    %swap3A_53 = arith.constant 144 : index
    %swap3A_54 = tpu.vector_load %arg7[%swap3A_53] {strides = array<i32>} : memref<640xf32, #tpu.memory_space<vmem>>, vector<16xf32>,
    tpu.vector_store %arg7[%swap3A_53], %broadcast_in_dim3A_52 {strides = array<i32>} : memref<640xf32, #tpu.memory_space<vmem>>, vector<16xf32>,
    %broadcast_in_dim3A_55 = arith.constant 0.000000e+00 : f32
    %broadcast_in_dim3A_56 = vector.broadcast %broadcast_in_dim3A_55 : f32 to vector<16xf32>
    %swap3A_57 = arith.constant 160 : index
    %swap3A_58 = tpu.vector_load %arg7[%swap3A_57] {strides = array<i32>} : memref<640xf32, #tpu.memory_space<vmem>>, vector<16xf32>,
    tpu.vector_store %arg7[%swap3A_57], %broadcast_in_dim3A_56 {strides = array<i32>} : memref<640xf32, #tpu.memory_space<vmem>>, vector<16xf32>,
    %broadcast_in_dim3A_59 = arith.constant 0.000000e+00 : f32
    %broadcast_in_dim3A_60 = vector.broadcast %broadcast_in_dim3A_59 : f32 to vector<16xf32>
    %swap3A_61 = arith.constant 176 : index
    %swap3A_62 = tpu.vector_load %arg7[%swap3A_61] {strides = array<i32>} : memref<640xf32, #tpu.memory_space<vmem>>, vector<16xf32>,
    tpu.vector_store %arg7[%swap3A_61], %broadcast_in_dim3A_60 {strides = array<i32>} : memref<640xf32, #tpu.memory_space<vmem>>, vector<16xf32>,
    %broadcast_in_dim3A_63 = arith.constant 0.000000e+00 : f32
    %broadcast_in_dim3A_64 = vector.broadcast %broadcast_in_dim3A_63 : f32 to vector<16xf32>
    %swap3A_65 = arith.constant 192 : index
    %swap3A_66 = tpu.vector_load %arg7[%swap3A_65] {strides = array<i32>} : memref<640xf32, #tpu.memory_space<vmem>>, vector<16xf32>,
    tpu.vector_store %arg7[%swap3A_65], %broadcast_in_dim3A_64 {strides = array<i32>} : memref<640xf32, #tpu.memory_space<vmem>>, vector<16xf32>,
    %broadcast_in_dim3A_67 = arith.constant 0.000000e+00 : f32
    %broadcast_in_dim3A_68 = vector.broadcast %broadcast_in_dim3A_67 : f32 to vector<16xf32>
    %swap3A_69 = arith.constant 208 : index
    %swap3A_70 = tpu.vector_load %arg7[%swap3A_69] {strides = array<i32>} : memref<640xf32, #tpu.memory_space<vmem>>, vector<16xf32>,
    tpu.vector_store %arg7[%swap3A_69], %broadcast_in_dim3A_68 {strides = array<i32>} : memref<640xf32, #tpu.memory_space<vmem>>, vector<16xf32>,
    %broadcast_in_dim3A_71 = arith.constant 0.000000e+00 : f32
    %broadcast_in_dim3A_72 = vector.broadcast %broadcast_in_dim3A_71 : f32 to vector<16xf32>
    %swap3A_73 = arith.constant 224 : index
    %swap3A_74 = tpu.vector_load %arg7[%swap3A_73] {strides = array<i32>} : memref<640xf32, #tpu.memory_space<vmem>>, vector<16xf32>,
    tpu.vector_store %arg7[%swap3A_73], %broadcast_in_dim3A_72 {strides = array<i32>} : memref<640xf32, #tpu.memory_space<vmem>>, vector<16xf32>,
    %broadcast_in_dim3A_75 = arith.constant 0.000000e+00 : f32
    %broadcast_in_dim3A_76 = vector.broadcast %broadcast_in_dim3A_75 : f32 to vector<16xf32>
    %swap3A_77 = arith.constant 240 : index
    %swap3A_78 = tpu.vector_load %arg7[%swap3A_77] {strides = array<i32>} : memref<640xf32, #tpu.memory_space<vmem>>, vector<16xf32>,
    tpu.vector_store %arg7[%swap3A_77], %broadcast_in_dim3A_76 {strides = array<i32>} : memref<640xf32, #tpu.memory_space<vmem>>, vector<16xf32>,
    %broadcast_in_dim3A_79 = arith.constant 0.000000e+00 : f32
    %broadcast_in_dim3A_80 = vector.broadcast %broadcast_in_dim3A_79 : f32 to vector<16xf32>
    %swap3A_81 = arith.constant 256 : index
    %swap3A_82 = tpu.vector_load %arg7[%swap3A_81] {strides = array<i32>} : memref<640xf32, #tpu.memory_space<vmem>>, vector<16xf32>,
    tpu.vector_store %arg7[%swap3A_81], %broadcast_in_dim3A_80 {strides = array<i32>} : memref<640xf32, #tpu.memory_space<vmem>>, vector<16xf32>,
    %broadcast_in_dim3A_83 = arith.constant 0.000000e+00 : f32
    %broadcast_in_dim3A_84 = vector.broadcast %broadcast_in_dim3A_83 : f32 to vector<16xf32>
    %swap3A_85 = arith.constant 272 : index
    %swap3A_86 = tpu.vector_load %arg7[%swap3A_85] {strides = array<i32>} : memref<640xf32, #tpu.memory_space<vmem>>, vector<16xf32>,
    tpu.vector_store %arg7[%swap3A_85], %broadcast_in_dim3A_84 {strides = array<i32>} : memref<640xf32, #tpu.memory_space<vmem>>, vector<16xf32>,
    %broadcast_in_dim3A_87 = arith.constant 0.000000e+00 : f32
    %broadcast_in_dim3A_88 = vector.broadcast %broadcast_in_dim3A_87 : f32 to vector<16xf32>
    %swap3A_89 = arith.constant 288 : index
    %swap3A_90 = tpu.vector_load %arg7[%swap3A_89] {strides = array<i32>} : memref<640xf32, #tpu.memory_space<vmem>>, vector<16xf32>,
    tpu.vector_store %arg7[%swap3A_89], %broadcast_in_dim3A_88 {strides = array<i32>} : memref<640xf32, #tpu.memory_space<vmem>>, vector<16xf32>,
    %broadcast_in_dim3A_91 = arith.constant 0.000000e+00 : f32
    %broadcast_in_dim3A_92 = vector.broadcast %broadcast_in_dim3A_91 : f32 to vector<16xf32>
    %swap3A_93 = arith.constant 304 : index
    %swap3A_94 = tpu.vector_load %arg7[%swap3A_93] {strides = array<i32>} : memref<640xf32, #tpu.memory_space<vmem>>, vector<16xf32>,
    tpu.vector_store %arg7[%swap3A_93], %broadcast_in_dim3A_92 {strides = array<i32>} : memref<640xf32, #tpu.memory_space<vmem>>, vector<16xf32>,
    %broadcast_in_dim3A_95 = arith.constant 0.000000e+00 : f32
    %broadcast_in_dim3A_96 = vector.broadcast %broadcast_in_dim3A_95 : f32 to vector<16xf32>
    %swap3A_97 = arith.constant 320 : index
    %swap3A_98 = tpu.vector_load %arg7[%swap3A_97] {strides = array<i32>} : memref<640xf32, #tpu.memory_space<vmem>>, vector<16xf32>,
    tpu.vector_store %arg7[%swap3A_97], %broadcast_in_dim3A_96 {strides = array<i32>} : memref<640xf32, #tpu.memory_space<vmem>>, vector<16xf32>,
    %broadcast_in_dim3A_99 = arith.constant 0.000000e+00 : f32
    %broadcast_in_dim3A_100 = vector.broadcast %broadcast_in_dim3A_99 : f32 to vector<16xf32>
    %swap3A_101 = arith.constant 336 : index
    %swap3A_102 = tpu.vector_load %arg7[%swap3A_101] {strides = array<i32>} : memref<640xf32, #tpu.memory_space<vmem>>, vector<16xf32>,
    tpu.vector_store %arg7[%swap3A_101], %broadcast_in_dim3A_100 {strides = array<i32>} : memref<640xf32, #tpu.memory_space<vmem>>, vector<16xf32>,
    %broadcast_in_dim3A_103 = arith.constant 0.000000e+00 : f32
    %broadcast_in_dim3A_104 = vector.broadcast %broadcast_in_dim3A_103 : f32 to vector<16xf32>
    %swap3A_105 = arith.constant 352 : index
    %swap3A_106 = tpu.vector_load %arg7[%swap3A_105] {strides = array<i32>} : memref<640xf32, #tpu.memory_space<vmem>>, vector<16xf32>,
    tpu.vector_store %arg7[%swap3A_105], %broadcast_in_dim3A_104 {strides = array<i32>} : memref<640xf32, #tpu.memory_space<vmem>>, vector<16xf32>,
    %broadcast_in_dim3A_107 = arith.constant 0.000000e+00 : f32
    %broadcast_in_dim3A_108 = vector.broadcast %broadcast_in_dim3A_107 : f32 to vector<16xf32>
    %swap3A_109 = arith.constant 368 : index
    %swap3A_110 = tpu.vector_load %arg7[%swap3A_109] {strides = array<i32>} : memref<640xf32, #tpu.memory_space<vmem>>, vector<16xf32>,
    tpu.vector_store %arg7[%swap3A_109], %broadcast_in_dim3A_108 {strides = array<i32>} : memref<640xf32, #tpu.memory_space<vmem>>, vector<16xf32>,
    %broadcast_in_dim3A_111 = arith.constant 0.000000e+00 : f32
    %broadcast_in_dim3A_112 = vector.broadcast %broadcast_in_dim3A_111 : f32 to vector<16xf32>
    %swap3A_113 = arith.constant 384 : index
    %swap3A_114 = tpu.vector_load %arg7[%swap3A_113] {strides = array<i32>} : memref<640xf32, #tpu.memory_space<vmem>>, vector<16xf32>,
    tpu.vector_store %arg7[%swap3A_113], %broadcast_in_dim3A_112 {strides = array<i32>} : memref<640xf32, #tpu.memory_space<vmem>>, vector<16xf32>,
    %broadcast_in_dim3A_115 = arith.constant 0.000000e+00 : f32
    %broadcast_in_dim3A_116 = vector.broadcast %broadcast_in_dim3A_115 : f32 to vector<16xf32>
    %swap3A_117 = arith.constant 400 : index
    %swap3A_118 = tpu.vector_load %arg7[%swap3A_117] {strides = array<i32>} : memref<640xf32, #tpu.memory_space<vmem>>, vector<16xf32>,
    tpu.vector_store %arg7[%swap3A_117], %broadcast_in_dim3A_116 {strides = array<i32>} : memref<640xf32, #tpu.memory_space<vmem>>, vector<16xf32>,
    %broadcast_in_dim3A_119 = arith.constant 0.000000e+00 : f32
    %broadcast_in_dim3A_120 = vector.broadcast %broadcast_in_dim3A_119 : f32 to vector<16xf32>
    %swap3A_121 = arith.constant 416 : index
    %swap3A_122 = tpu.vector_load %arg7[%swap3A_121] {strides = array<i32>} : memref<640xf32, #tpu.memory_space<vmem>>, vector<16xf32>,
    tpu.vector_store %arg7[%swap3A_121], %broadcast_in_dim3A_120 {strides = array<i32>} : memref<640xf32, #tpu.memory_space<vmem>>, vector<16xf32>,
    %broadcast_in_dim3A_123 = arith.constant 0.000000e+00 : f32
    %broadcast_in_dim3A_124 = vector.broadcast %broadcast_in_dim3A_123 : f32 to vector<16xf32>
    %swap3A_125 = arith.constant 432 : index
    %swap3A_126 = tpu.vector_load %arg7[%swap3A_125] {strides = array<i32>} : memref<640xf32, #tpu.memory_space<vmem>>, vector<16xf32>,
    tpu.vector_store %arg7[%swap3A_125], %broadcast_in_dim3A_124 {strides = array<i32>} : memref<640xf32, #tpu.memory_space<vmem>>, vector<16xf32>,
    %broadcast_in_dim3A_127 = arith.constant 0.000000e+00 : f32
    %broadcast_in_dim3A_128 = vector.broadcast %broadcast_in_dim3A_127 : f32 to vector<16xf32>
    %swap3A_129 = arith.constant 448 : index
    %swap3A_130 = tpu.vector_load %arg7[%swap3A_129] {strides = array<i32>} : memref<640xf32, #tpu.memory_space<vmem>>, vector<16xf32>,
    tpu.vector_store %arg7[%swap3A_129], %broadcast_in_dim3A_128 {strides = array<i32>} : memref<640xf32, #tpu.memory_space<vmem>>, vector<16xf32>,
    %broadcast_in_dim3A_131 = arith.constant 0.000000e+00 : f32
    %broadcast_in_dim3A_132 = vector.broadcast %broadcast_in_dim3A_131 : f32 to vector<16xf32>
    %swap3A_133 = arith.constant 464 : index
    %swap3A_134 = tpu.vector_load %arg7[%swap3A_133] {strides = array<i32>} : memref<640xf32, #tpu.memory_space<vmem>>, vector<16xf32>,
    tpu.vector_store %arg7[%swap3A_133], %broadcast_in_dim3A_132 {strides = array<i32>} : memref<640xf32, #tpu.memory_space<vmem>>, vector<16xf32>,
    %broadcast_in_dim3A_135 = arith.constant 0.000000e+00 : f32
    %broadcast_in_dim3A_136 = vector.broadcast %broadcast_in_dim3A_135 : f32 to vector<16xf32>
    %swap3A_137 = arith.constant 480 : index
    %swap3A_138 = tpu.vector_load %arg7[%swap3A_137] {strides = array<i32>} : memref<640xf32, #tpu.memory_space<vmem>>, vector<16xf32>,
    tpu.vector_store %arg7[%swap3A_137], %broadcast_in_dim3A_136 {strides = array<i32>} : memref<640xf32, #tpu.memory_space<vmem>>, vector<16xf32>,
    %broadcast_in_dim3A_139 = arith.constant 0.000000e+00 : f32
    %broadcast_in_dim3A_140 = vector.broadcast %broadcast_in_dim3A_139 : f32 to vector<16xf32>
    %swap3A_141 = arith.constant 496 : index
    %swap3A_142 = tpu.vector_load %arg7[%swap3A_141] {strides = array<i32>} : memref<640xf32, #tpu.memory_space<vmem>>, vector<16xf32>,
    tpu.vector_store %arg7[%swap3A_141], %broadcast_in_dim3A_140 {strides = array<i32>} : memref<640xf32, #tpu.memory_space<vmem>>, vector<16xf32>,
    %broadcast_in_dim3A_143 = arith.constant 0.000000e+00 : f32
    %broadcast_in_dim3A_144 = vector.broadcast %broadcast_in_dim3A_143 : f32 to vector<16xf32>
    %swap3A_145 = arith.constant 512 : index
    %swap3A_146 = tpu.vector_load %arg7[%swap3A_145] {strides = array<i32>} : memref<640xf32, #tpu.memory_space<vmem>>, vector<16xf32>,
    tpu.vector_store %arg7[%swap3A_145], %broadcast_in_dim3A_144 {strides = array<i32>} : memref<640xf32, #tpu.memory_space<vmem>>, vector<16xf32>,
    %broadcast_in_dim3A_147 = arith.constant 0.000000e+00 : f32
    %broadcast_in_dim3A_148 = vector.broadcast %broadcast_in_dim3A_147 : f32 to vector<16xf32>
    %swap3A_149 = arith.constant 528 : index
    %swap3A_150 = tpu.vector_load %arg7[%swap3A_149] {strides = array<i32>} : memref<640xf32, #tpu.memory_space<vmem>>, vector<16xf32>,
    tpu.vector_store %arg7[%swap3A_149], %broadcast_in_dim3A_148 {strides = array<i32>} : memref<640xf32, #tpu.memory_space<vmem>>, vector<16xf32>,
    %broadcast_in_dim3A_151 = arith.constant 0.000000e+00 : f32
    %broadcast_in_dim3A_152 = vector.broadcast %broadcast_in_dim3A_151 : f32 to vector<16xf32>
    %swap3A_153 = arith.constant 544 : index
    %swap3A_154 = tpu.vector_load %arg7[%swap3A_153] {strides = array<i32>} : memref<640xf32, #tpu.memory_space<vmem>>, vector<16xf32>,
    tpu.vector_store %arg7[%swap3A_153], %broadcast_in_dim3A_152 {strides = array<i32>} : memref<640xf32, #tpu.memory_space<vmem>>, vector<16xf32>,
    %broadcast_in_dim3A_155 = arith.constant 0.000000e+00 : f32
    %broadcast_in_dim3A_156 = vector.broadcast %broadcast_in_dim3A_155 : f32 to vector<16xf32>
    %swap3A_157 = arith.constant 560 : index
    %swap3A_158 = tpu.vector_load %arg7[%swap3A_157] {strides = array<i32>} : memref<640xf32, #tpu.memory_space<vmem>>, vector<16xf32>,
    tpu.vector_store %arg7[%swap3A_157], %broadcast_in_dim3A_156 {strides = array<i32>} : memref<640xf32, #tpu.memory_space<vmem>>, vector<16xf32>,
    %broadcast_in_dim3A_159 = arith.constant 0.000000e+00 : f32
    %broadcast_in_dim3A_160 = vector.broadcast %broadcast_in_dim3A_159 : f32 to vector<16xf32>
    %swap3A_161 = arith.constant 576 : index
    %swap3A_162 = tpu.vector_load %arg7[%swap3A_161] {strides = array<i32>} : memref<640xf32, #tpu.memory_space<vmem>>, vector<16xf32>,
    tpu.vector_store %arg7[%swap3A_161], %broadcast_in_dim3A_160 {strides = array<i32>} : memref<640xf32, #tpu.memory_space<vmem>>, vector<16xf32>,
    %broadcast_in_dim3A_163 = arith.constant 0.000000e+00 : f32
    %broadcast_in_dim3A_164 = vector.broadcast %broadcast_in_dim3A_163 : f32 to vector<16xf32>
    %swap3A_165 = arith.constant 592 : index
    %swap3A_166 = tpu.vector_load %arg7[%swap3A_165] {strides = array<i32>} : memref<640xf32, #tpu.memory_space<vmem>>, vector<16xf32>,
    tpu.vector_store %arg7[%swap3A_165], %broadcast_in_dim3A_164 {strides = array<i32>} : memref<640xf32, #tpu.memory_space<vmem>>, vector<16xf32>,
    %broadcast_in_dim3A_167 = arith.constant 0.000000e+00 : f32
    %broadcast_in_dim3A_168 = vector.broadcast %broadcast_in_dim3A_167 : f32 to vector<16xf32>
    %swap3A_169 = arith.constant 608 : index
    %swap3A_170 = tpu.vector_load %arg7[%swap3A_169] {strides = array<i32>} : memref<640xf32, #tpu.memory_space<vmem>>, vector<16xf32>,
    tpu.vector_store %arg7[%swap3A_169], %broadcast_in_dim3A_168 {strides = array<i32>} : memref<640xf32, #tpu.memory_space<vmem>>, vector<16xf32>,
    %broadcast_in_dim3A_171 = arith.constant 0.000000e+00 : f32
    %broadcast_in_dim3A_172 = vector.broadcast %broadcast_in_dim3A_171 : f32 to vector<16xf32>
    %swap3A_173 = arith.constant 624 : index
    %swap3A_174 = tpu.vector_load %arg7[%swap3A_173] {strides = array<i32>} : memref<640xf32, #tpu.memory_space<vmem>>, vector<16xf32>,
    tpu.vector_store %arg7[%swap3A_173], %broadcast_in_dim3A_172 {strides = array<i32>} : memref<640xf32, #tpu.memory_space<vmem>>, vector<16xf32>,
    %add3A_175 = arith.constant 8192 : i32
    %add3A_176 = arith.addi %multiple_of3A, %add3A_175 : i32
    %multiple_of3A_177 = tpu.assume_multiple %add3A_176, 8192 : i32
    %dma_start3A_178 = arith.constant 8192 : i32
    %dma_start3A_179 = tpu.memref_slice %arg5[%dma_start3A_178] : memref<32768xf32, #tpu.memory_space<vmem>> -> memref<8192xf32, #tpu.memory_space<vmem>>
    %dma_start3A_180 = tpu.memref_slice %arg2[%multiple_of3A_177] : memref<1048576xf32, #tpu.memory_space<hbm>> -> memref<8192xf32, #tpu.memory_space<hbm>>
    %dma_start3A_181 = arith.constant 8192 : i32
    %dma_start3A_182 = tpu.memref_slice %arg5[%dma_start3A_181] : memref<32768xf32, #tpu.memory_space<vmem>> -> memref<8192xf32, #tpu.memory_space<vmem>>
    %dma_start3A_183 = tpu.memref_slice %arg2[%multiple_of3A_177] : memref<1048576xf32, #tpu.memory_space<hbm>> -> memref<8192xf32, #tpu.memory_space<hbm>>
    tpu.enqueue_dma source(%dma_start3A_183 : memref<8192xf32, #tpu.memory_space<hbm>>) target(%dma_start3A_182 : memref<8192xf32, #tpu.memory_space<vmem>>) target_semaphore(%arg10 : memref<!tpu.dma_semaphore, #tpu.memory_space<semaphore_mem>>)
    %dma_start3A_184 = arith.constant 8192 : i32
    %dma_start3A_185 = tpu.memref_slice %arg6[%dma_start3A_184] : memref<32768xf32, #tpu.memory_space<vmem>> -> memref<8192xf32, #tpu.memory_space<vmem>>
    %dma_start3A_186 = tpu.memref_slice %arg3[%multiple_of3A_177] : memref<1048576xf32, #tpu.memory_space<hbm>> -> memref<8192xf32, #tpu.memory_space<hbm>>
    %dma_start3A_187 = arith.constant 8192 : i32
    %dma_start3A_188 = tpu.memref_slice %arg6[%dma_start3A_187] : memref<32768xf32, #tpu.memory_space<vmem>> -> memref<8192xf32, #tpu.memory_space<vmem>>
    %dma_start3A_189 = tpu.memref_slice %arg3[%multiple_of3A_177] : memref<1048576xf32, #tpu.memory_space<hbm>> -> memref<8192xf32, #tpu.memory_space<hbm>>
    tpu.enqueue_dma source(%dma_start3A_189 : memref<8192xf32, #tpu.memory_space<hbm>>) target(%dma_start3A_188 : memref<8192xf32, #tpu.memory_space<vmem>>) target_semaphore(%arg11 : memref<!tpu.dma_semaphore, #tpu.memory_space<semaphore_mem>>)
    %add3A_190 = arith.constant 16384 : i32
    %add3A_191 = arith.addi %multiple_of3A, %add3A_190 : i32
    %multiple_of3A_192 = tpu.assume_multiple %add3A_191, 8192 : i32
    %dma_start3A_193 = arith.constant 16384 : i32
    %dma_start3A_194 = tpu.memref_slice %arg5[%dma_start3A_193] : memref<32768xf32, #tpu.memory_space<vmem>> -> memref<8192xf32, #tpu.memory_space<vmem>>
    %dma_start3A_195 = tpu.memref_slice %arg2[%multiple_of3A_192] : memref<1048576xf32, #tpu.memory_space<hbm>> -> memref<8192xf32, #tpu.memory_space<hbm>>
    %dma_start3A_196 = arith.constant 16384 : i32
    %dma_start3A_197 = tpu.memref_slice %arg5[%dma_start3A_196] : memref<32768xf32, #tpu.memory_space<vmem>> -> memref<8192xf32, #tpu.memory_space<vmem>>
    %dma_start3A_198 = tpu.memref_slice %arg2[%multiple_of3A_192] : memref<1048576xf32, #tpu.memory_space<hbm>> -> memref<8192xf32, #tpu.memory_space<hbm>>
    tpu.enqueue_dma source(%dma_start3A_198 : memref<8192xf32, #tpu.memory_space<hbm>>) target(%dma_start3A_197 : memref<8192xf32, #tpu.memory_space<vmem>>) target_semaphore(%arg12 : memref<!tpu.dma_semaphore, #tpu.memory_space<semaphore_mem>>)
    %dma_start3A_199 = arith.constant 16384 : i32
    %dma_start3A_200 = tpu.memref_slice %arg6[%dma_start3A_199] : memref<32768xf32, #tpu.memory_space<vmem>> -> memref<8192xf32, #tpu.memory_space<vmem>>
    %dma_start3A_201 = tpu.memref_slice %arg3[%multiple_of3A_192] : memref<1048576xf32, #tpu.memory_space<hbm>> -> memref<8192xf32, #tpu.memory_space<hbm>>
    %dma_start3A_202 = arith.constant 16384 : i32
    %dma_start3A_203 = tpu.memref_slice %arg6[%dma_start3A_202] : memref<32768xf32, #tpu.memory_space<vmem>> -> memref<8192xf32, #tpu.memory_space<vmem>>
    %dma_start3A_204 = tpu.memref_slice %arg3[%multiple_of3A_192] : memref<1048576xf32, #tpu.memory_space<hbm>> -> memref<8192xf32, #tpu.memory_space<hbm>>
    tpu.enqueue_dma source(%dma_start3A_204 : memref<8192xf32, #tpu.memory_space<hbm>>) target(%dma_start3A_203 : memref<8192xf32, #tpu.memory_space<vmem>>) target_semaphore(%arg13 : memref<!tpu.dma_semaphore, #tpu.memory_space<semaphore_mem>>)
    %add3A_205 = arith.constant 24576 : i32
    %add3A_206 = arith.addi %multiple_of3A, %add3A_205 : i32
    %multiple_of3A_207 = tpu.assume_multiple %add3A_206, 8192 : i32
    %dma_start3A_208 = arith.constant 24576 : i32
    %dma_start3A_209 = tpu.memref_slice %arg5[%dma_start3A_208] : memref<32768xf32, #tpu.memory_space<vmem>> -> memref<8192xf32, #tpu.memory_space<vmem>>
    %dma_start3A_210 = tpu.memref_slice %arg2[%multiple_of3A_207] : memref<1048576xf32, #tpu.memory_space<hbm>> -> memref<8192xf32, #tpu.memory_space<hbm>>
    %dma_start3A_211 = arith.constant 24576 : i32
    %dma_start3A_212 = tpu.memref_slice %arg5[%dma_start3A_211] : memref<32768xf32, #tpu.memory_space<vmem>> -> memref<8192xf32, #tpu.memory_space<vmem>>
    %dma_start3A_213 = tpu.memref_slice %arg2[%multiple_of3A_207] : memref<1048576xf32, #tpu.memory_space<hbm>> -> memref<8192xf32, #tpu.memory_space<hbm>>
    tpu.enqueue_dma source(%dma_start3A_213 : memref<8192xf32, #tpu.memory_space<hbm>>) target(%dma_start3A_212 : memref<8192xf32, #tpu.memory_space<vmem>>) target_semaphore(%arg14 : memref<!tpu.dma_semaphore, #tpu.memory_space<semaphore_mem>>)
    %dma_start3A_214 = arith.constant 24576 : i32
    %dma_start3A_215 = tpu.memref_slice %arg6[%dma_start3A_214] : memref<32768xf32, #tpu.memory_space<vmem>> -> memref<8192xf32, #tpu.memory_space<vmem>>
    %dma_start3A_216 = tpu.memref_slice %arg3[%multiple_of3A_207] : memref<1048576xf32, #tpu.memory_space<hbm>> -> memref<8192xf32, #tpu.memory_space<hbm>>
    %dma_start3A_217 = arith.constant 24576 : i32
    %dma_start3A_218 = tpu.memref_slice %arg6[%dma_start3A_217] : memref<32768xf32, #tpu.memory_space<vmem>> -> memref<8192xf32, #tpu.memory_space<vmem>>
    %dma_start3A_219 = tpu.memref_slice %arg3[%multiple_of3A_207] : memref<1048576xf32, #tpu.memory_space<hbm>> -> memref<8192xf32, #tpu.memory_space<hbm>>
    tpu.enqueue_dma source(%dma_start3A_219 : memref<8192xf32, #tpu.memory_space<hbm>>) target(%dma_start3A_218 : memref<8192xf32, #tpu.memory_space<vmem>>) target_semaphore(%arg15 : memref<!tpu.dma_semaphore, #tpu.memory_space<semaphore_mem>>)
    %dma_wait3A = arith.constant 0 : i32
    %dma_wait3A_220 = tpu.memref_slice %arg5[%dma_wait3A] : memref<32768xf32, #tpu.memory_space<vmem>> -> memref<8192xf32, #tpu.memory_space<vmem>>
    %dma_wait3A_221 = tpu.memref_slice %arg2[%multiple_of3A_5] : memref<1048576xf32, #tpu.memory_space<hbm>> -> memref<8192xf32, #tpu.memory_space<hbm>>
    %dma_wait3A_222 = arith.constant 0 : i32
    %dma_wait3A_223 = tpu.memref_slice %arg5[%dma_wait3A_222] : memref<32768xf32, #tpu.memory_space<vmem>> -> memref<8192xf32, #tpu.memory_space<vmem>>
    %dma_wait3A_224 = tpu.memref_slice %arg2[%multiple_of3A_5] : memref<1048576xf32, #tpu.memory_space<hbm>> -> memref<8192xf32, #tpu.memory_space<hbm>>
    tpu.wait_dma2 semaphore(%arg8 : memref<!tpu.dma_semaphore, #tpu.memory_space<semaphore_mem>>) src(%dma_wait3A_224 : memref<8192xf32, #tpu.memory_space<hbm>>) dst(%dma_wait3A_223 : memref<8192xf32, #tpu.memory_space<vmem>>)
    %dma_wait3A_225 = arith.constant 0 : i32
    %dma_wait3A_226 = tpu.memref_slice %arg6[%dma_wait3A_225] : memref<32768xf32, #tpu.memory_space<vmem>> -> memref<8192xf32, #tpu.memory_space<vmem>>
    %dma_wait3A_227 = tpu.memref_slice %arg3[%multiple_of3A_5] : memref<1048576xf32, #tpu.memory_space<hbm>> -> memref<8192xf32, #tpu.memory_space<hbm>>
    %dma_wait3A_228 = arith.constant 0 : i32
    %dma_wait3A_229 = tpu.memref_slice %arg6[%dma_wait3A_228] : memref<32768xf32, #tpu.memory_space<vmem>> -> memref<8192xf32, #tpu.memory_space<vmem>>
    %dma_wait3A_230 = tpu.memref_slice %arg3[%multiple_of3A_5] : memref<1048576xf32, #tpu.memory_space<hbm>> -> memref<8192xf32, #tpu.memory_space<hbm>>
    tpu.wait_dma2 semaphore(%arg9 : memref<!tpu.dma_semaphore, #tpu.memory_space<semaphore_mem>>) src(%dma_wait3A_230 : memref<8192xf32, #tpu.memory_space<hbm>>) dst(%dma_wait3A_229 : memref<8192xf32, #tpu.memory_space<vmem>>)
    %parallel_loop3A = arith.constant 0 : i32
    %parallel_loop3A_231 = arith.constant 512 : i32
    %parallel_loop3A_232 = arith.constant 1 : i32
    scf.for %parallel_loop3A_278 = %parallel_loop3A to %parallel_loop3A_231 step %parallel_loop3A_232  : i32 {
      %parallel_loop3A_279 = tpu.iota {dimensions = array<i32: 0>} : vector<16xi32>
      %parallel_loop3A_280 = arith.constant 16 : i32
      %parallel_loop3A_281 = arith.muli %parallel_loop3A_278, %parallel_loop3A_280 : i32
      %parallel_loop3A_282 = tpu.assume_multiple %parallel_loop3A_281, 16 : i32
      %parallel_loop3A_283 = arith.index_cast %parallel_loop3A_282 : i32 to index
      %parallel_loop3A_284 = tpu.vector_load %arg5[%parallel_loop3A_283] {strides = array<i32>} : memref<32768xf32, #tpu.memory_space<vmem>>, vector<16xf32>,
      %parallel_loop3A_285 = arith.index_cast %parallel_loop3A_282 : i32 to index
      %parallel_loop3A_286 = tpu.vector_load %arg6[%parallel_loop3A_285] {strides = array<i32>} : memref<32768xf32, #tpu.memory_space<vmem>>, vector<16xf32>,
      %parallel_loop3A_287 = arith.constant 5.000000e-01 : f32
      %parallel_loop3A_288 = vector.broadcast %parallel_loop3A_287 : f32 to vector<16xf32>
      %parallel_loop3A_289 = arith.subf %parallel_loop3A_284, %parallel_loop3A_288 : vector<16xf32>
      %parallel_loop3A_290 = arith.constant 4.000000e+01 : f32
      %parallel_loop3A_291 = vector.broadcast %parallel_loop3A_290 : f32 to vector<16xf32>
      %parallel_loop3A_292 = arith.mulf %parallel_loop3A_289, %parallel_loop3A_291 : vector<16xf32>
      %parallel_loop3A_293 = arith.fptosi %parallel_loop3A_292 : vector<16xf32> to vector<16xi32>
      %parallel_loop3A_294 = arith.constant 0 : i32
      %parallel_loop3A_295 = arith.constant 19 : i32
      %parallel_loop3A_296 = vector.broadcast %parallel_loop3A_294 : i32 to vector<16xi32>
      %parallel_loop3A_297 = arith.maxsi %parallel_loop3A_296, %parallel_loop3A_293 : vector<16xi32>
      %parallel_loop3A_298 = vector.broadcast %parallel_loop3A_295 : i32 to vector<16xi32>
      %parallel_loop3A_299 = arith.minsi %parallel_loop3A_298, %parallel_loop3A_297 : vector<16xi32>
      %parallel_loop3A_300 = arith.constant 5.000000e-01 : f32
      %parallel_loop3A_301 = vector.broadcast %parallel_loop3A_300 : f32 to vector<16xf32>
      %parallel_loop3A_302 = arith.cmpf ogt, %parallel_loop3A_284, %parallel_loop3A_301 : vector<16xf32>
      %parallel_loop3A_303 = arith.constant 16 : i32
      %parallel_loop3A_304 = vector.broadcast %parallel_loop3A_303 : i32 to vector<16xi32>
      %parallel_loop3A_305 = arith.muli %parallel_loop3A_299, %parallel_loop3A_304 : vector<16xi32>
      %parallel_loop3A_306 = arith.addi %parallel_loop3A_305, %parallel_loop3A_279 : vector<16xi32>
      tpu.vector_store_idx %arg7[%parallel_loop3A_306], %parallel_loop3A_284 masked %parallel_loop3A_302 {add = true} : memref<640xf32, #tpu.memory_space<vmem>>[vector<16xi32>], vector<16xf32>, vector<16xi1>
      %parallel_loop3A_307 = arith.constant 320 : i32
      %parallel_loop3A_308 = vector.broadcast %parallel_loop3A_307 : i32 to vector<16xi32>
      %parallel_loop3A_309 = arith.addi %parallel_loop3A_306, %parallel_loop3A_308 : vector<16xi32>
      tpu.vector_store_idx %arg7[%parallel_loop3A_309], %parallel_loop3A_286 masked %parallel_loop3A_302 {add = true} : memref<640xf32, #tpu.memory_space<vmem>>[vector<16xi32>], vector<16xf32>, vector<16xi1>
    } {sc.loop_unroll_factor = 16 : i64, sc.parallel_access}
    %dma_wait3A_233 = arith.constant 8192 : i32
    %dma_wait3A_234 = tpu.memref_slice %arg5[%dma_wait3A_233] : memref<32768xf32, #tpu.memory_space<vmem>> -> memref<8192xf32, #tpu.memory_space<vmem>>
    %dma_wait3A_235 = tpu.memref_slice %arg2[%multiple_of3A_177] : memref<1048576xf32, #tpu.memory_space<hbm>> -> memref<8192xf32, #tpu.memory_space<hbm>>
    %dma_wait3A_236 = arith.constant 8192 : i32
    %dma_wait3A_237 = tpu.memref_slice %arg5[%dma_wait3A_236] : memref<32768xf32, #tpu.memory_space<vmem>> -> memref<8192xf32, #tpu.memory_space<vmem>>
    %dma_wait3A_238 = tpu.memref_slice %arg2[%multiple_of3A_177] : memref<1048576xf32, #tpu.memory_space<hbm>> -> memref<8192xf32, #tpu.memory_space<hbm>>
    tpu.wait_dma2 semaphore(%arg10 : memref<!tpu.dma_semaphore, #tpu.memory_space<semaphore_mem>>) src(%dma_wait3A_238 : memref<8192xf32, #tpu.memory_space<hbm>>) dst(%dma_wait3A_237 : memref<8192xf32, #tpu.memory_space<vmem>>)
    %dma_wait3A_239 = arith.constant 8192 : i32
    %dma_wait3A_240 = tpu.memref_slice %arg6[%dma_wait3A_239] : memref<32768xf32, #tpu.memory_space<vmem>> -> memref<8192xf32, #tpu.memory_space<vmem>>
    %dma_wait3A_241 = tpu.memref_slice %arg3[%multiple_of3A_177] : memref<1048576xf32, #tpu.memory_space<hbm>> -> memref<8192xf32, #tpu.memory_space<hbm>>
    %dma_wait3A_242 = arith.constant 8192 : i32
    %dma_wait3A_243 = tpu.memref_slice %arg6[%dma_wait3A_242] : memref<32768xf32, #tpu.memory_space<vmem>> -> memref<8192xf32, #tpu.memory_space<vmem>>
    %dma_wait3A_244 = tpu.memref_slice %arg3[%multiple_of3A_177] : memref<1048576xf32, #tpu.memory_space<hbm>> -> memref<8192xf32, #tpu.memory_space<hbm>>
    tpu.wait_dma2 semaphore(%arg11 : memref<!tpu.dma_semaphore, #tpu.memory_space<semaphore_mem>>) src(%dma_wait3A_244 : memref<8192xf32, #tpu.memory_space<hbm>>) dst(%dma_wait3A_243 : memref<8192xf32, #tpu.memory_space<vmem>>)
    %parallel_loop3A_245 = arith.constant 512 : i32
    %parallel_loop3A_246 = arith.constant 1024 : i32
    %parallel_loop3A_247 = arith.constant 1 : i32
    scf.for %parallel_loop3A_278 = %parallel_loop3A_245 to %parallel_loop3A_246 step %parallel_loop3A_247  : i32 {
      %parallel_loop3A_279 = tpu.iota {dimensions = array<i32: 0>} : vector<16xi32>
      %parallel_loop3A_280 = arith.constant 16 : i32
      %parallel_loop3A_281 = arith.muli %parallel_loop3A_278, %parallel_loop3A_280 : i32
      %parallel_loop3A_282 = tpu.assume_multiple %parallel_loop3A_281, 16 : i32
      %parallel_loop3A_283 = arith.index_cast %parallel_loop3A_282 : i32 to index
      %parallel_loop3A_284 = tpu.vector_load %arg5[%parallel_loop3A_283] {strides = array<i32>} : memref<32768xf32, #tpu.memory_space<vmem>>, vector<16xf32>,
      %parallel_loop3A_285 = arith.index_cast %parallel_loop3A_282 : i32 to index
      %parallel_loop3A_286 = tpu.vector_load %arg6[%parallel_loop3A_285] {strides = array<i32>} : memref<32768xf32, #tpu.memory_space<vmem>>, vector<16xf32>,
      %parallel_loop3A_287 = arith.constant 5.000000e-01 : f32
      %parallel_loop3A_288 = vector.broadcast %parallel_loop3A_287 : f32 to vector<16xf32>
      %parallel_loop3A_289 = arith.subf %parallel_loop3A_284, %parallel_loop3A_288 : vector<16xf32>
      %parallel_loop3A_290 = arith.constant 4.000000e+01 : f32
      %parallel_loop3A_291 = vector.broadcast %parallel_loop3A_290 : f32 to vector<16xf32>
      %parallel_loop3A_292 = arith.mulf %parallel_loop3A_289, %parallel_loop3A_291 : vector<16xf32>
      %parallel_loop3A_293 = arith.fptosi %parallel_loop3A_292 : vector<16xf32> to vector<16xi32>
      %parallel_loop3A_294 = arith.constant 0 : i32
      %parallel_loop3A_295 = arith.constant 19 : i32
      %parallel_loop3A_296 = vector.broadcast %parallel_loop3A_294 : i32 to vector<16xi32>
      %parallel_loop3A_297 = arith.maxsi %parallel_loop3A_296, %parallel_loop3A_293 : vector<16xi32>
      %parallel_loop3A_298 = vector.broadcast %parallel_loop3A_295 : i32 to vector<16xi32>
      %parallel_loop3A_299 = arith.minsi %parallel_loop3A_298, %parallel_loop3A_297 : vector<16xi32>
      %parallel_loop3A_300 = arith.constant 5.000000e-01 : f32
      %parallel_loop3A_301 = vector.broadcast %parallel_loop3A_300 : f32 to vector<16xf32>
      %parallel_loop3A_302 = arith.cmpf ogt, %parallel_loop3A_284, %parallel_loop3A_301 : vector<16xf32>
      %parallel_loop3A_303 = arith.constant 16 : i32
      %parallel_loop3A_304 = vector.broadcast %parallel_loop3A_303 : i32 to vector<16xi32>
      %parallel_loop3A_305 = arith.muli %parallel_loop3A_299, %parallel_loop3A_304 : vector<16xi32>
      %parallel_loop3A_306 = arith.addi %parallel_loop3A_305, %parallel_loop3A_279 : vector<16xi32>
      tpu.vector_store_idx %arg7[%parallel_loop3A_306], %parallel_loop3A_284 masked %parallel_loop3A_302 {add = true} : memref<640xf32, #tpu.memory_space<vmem>>[vector<16xi32>], vector<16xf32>, vector<16xi1>
      %parallel_loop3A_307 = arith.constant 320 : i32
      %parallel_loop3A_308 = vector.broadcast %parallel_loop3A_307 : i32 to vector<16xi32>
      %parallel_loop3A_309 = arith.addi %parallel_loop3A_306, %parallel_loop3A_308 : vector<16xi32>
      tpu.vector_store_idx %arg7[%parallel_loop3A_309], %parallel_loop3A_286 masked %parallel_loop3A_302 {add = true} : memref<640xf32, #tpu.memory_space<vmem>>[vector<16xi32>], vector<16xf32>, vector<16xi1>
    } {sc.loop_unroll_factor = 16 : i64, sc.parallel_access}
    %dma_wait3A_248 = arith.constant 16384 : i32
    %dma_wait3A_249 = tpu.memref_slice %arg5[%dma_wait3A_248] : memref<32768xf32, #tpu.memory_space<vmem>> -> memref<8192xf32, #tpu.memory_space<vmem>>
    %dma_wait3A_250 = tpu.memref_slice %arg2[%multiple_of3A_192] : memref<1048576xf32, #tpu.memory_space<hbm>> -> memref<8192xf32, #tpu.memory_space<hbm>>
    %dma_wait3A_251 = arith.constant 16384 : i32
    %dma_wait3A_252 = tpu.memref_slice %arg5[%dma_wait3A_251] : memref<32768xf32, #tpu.memory_space<vmem>> -> memref<8192xf32, #tpu.memory_space<vmem>>
    %dma_wait3A_253 = tpu.memref_slice %arg2[%multiple_of3A_192] : memref<1048576xf32, #tpu.memory_space<hbm>> -> memref<8192xf32, #tpu.memory_space<hbm>>
    tpu.wait_dma2 semaphore(%arg12 : memref<!tpu.dma_semaphore, #tpu.memory_space<semaphore_mem>>) src(%dma_wait3A_253 : memref<8192xf32, #tpu.memory_space<hbm>>) dst(%dma_wait3A_252 : memref<8192xf32, #tpu.memory_space<vmem>>)
    %dma_wait3A_254 = arith.constant 16384 : i32
    %dma_wait3A_255 = tpu.memref_slice %arg6[%dma_wait3A_254] : memref<32768xf32, #tpu.memory_space<vmem>> -> memref<8192xf32, #tpu.memory_space<vmem>>
    %dma_wait3A_256 = tpu.memref_slice %arg3[%multiple_of3A_192] : memref<1048576xf32, #tpu.memory_space<hbm>> -> memref<8192xf32, #tpu.memory_space<hbm>>
    %dma_wait3A_257 = arith.constant 16384 : i32
    %dma_wait3A_258 = tpu.memref_slice %arg6[%dma_wait3A_257] : memref<32768xf32, #tpu.memory_space<vmem>> -> memref<8192xf32, #tpu.memory_space<vmem>>
    %dma_wait3A_259 = tpu.memref_slice %arg3[%multiple_of3A_192] : memref<1048576xf32, #tpu.memory_space<hbm>> -> memref<8192xf32, #tpu.memory_space<hbm>>
    tpu.wait_dma2 semaphore(%arg13 : memref<!tpu.dma_semaphore, #tpu.memory_space<semaphore_mem>>) src(%dma_wait3A_259 : memref<8192xf32, #tpu.memory_space<hbm>>) dst(%dma_wait3A_258 : memref<8192xf32, #tpu.memory_space<vmem>>)
    %parallel_loop3A_260 = arith.constant 1024 : i32
    %parallel_loop3A_261 = arith.constant 1536 : i32
    %parallel_loop3A_262 = arith.constant 1 : i32
    scf.for %parallel_loop3A_278 = %parallel_loop3A_260 to %parallel_loop3A_261 step %parallel_loop3A_262  : i32 {
      %parallel_loop3A_279 = tpu.iota {dimensions = array<i32: 0>} : vector<16xi32>
      %parallel_loop3A_280 = arith.constant 16 : i32
      %parallel_loop3A_281 = arith.muli %parallel_loop3A_278, %parallel_loop3A_280 : i32
      %parallel_loop3A_282 = tpu.assume_multiple %parallel_loop3A_281, 16 : i32
      %parallel_loop3A_283 = arith.index_cast %parallel_loop3A_282 : i32 to index
      %parallel_loop3A_284 = tpu.vector_load %arg5[%parallel_loop3A_283] {strides = array<i32>} : memref<32768xf32, #tpu.memory_space<vmem>>, vector<16xf32>,
      %parallel_loop3A_285 = arith.index_cast %parallel_loop3A_282 : i32 to index
      %parallel_loop3A_286 = tpu.vector_load %arg6[%parallel_loop3A_285] {strides = array<i32>} : memref<32768xf32, #tpu.memory_space<vmem>>, vector<16xf32>,
      %parallel_loop3A_287 = arith.constant 5.000000e-01 : f32
      %parallel_loop3A_288 = vector.broadcast %parallel_loop3A_287 : f32 to vector<16xf32>
      %parallel_loop3A_289 = arith.subf %parallel_loop3A_284, %parallel_loop3A_288 : vector<16xf32>
      %parallel_loop3A_290 = arith.constant 4.000000e+01 : f32
      %parallel_loop3A_291 = vector.broadcast %parallel_loop3A_290 : f32 to vector<16xf32>
      %parallel_loop3A_292 = arith.mulf %parallel_loop3A_289, %parallel_loop3A_291 : vector<16xf32>
      %parallel_loop3A_293 = arith.fptosi %parallel_loop3A_292 : vector<16xf32> to vector<16xi32>
      %parallel_loop3A_294 = arith.constant 0 : i32
      %parallel_loop3A_295 = arith.constant 19 : i32
      %parallel_loop3A_296 = vector.broadcast %parallel_loop3A_294 : i32 to vector<16xi32>
      %parallel_loop3A_297 = arith.maxsi %parallel_loop3A_296, %parallel_loop3A_293 : vector<16xi32>
      %parallel_loop3A_298 = vector.broadcast %parallel_loop3A_295 : i32 to vector<16xi32>
      %parallel_loop3A_299 = arith.minsi %parallel_loop3A_298, %parallel_loop3A_297 : vector<16xi32>
      %parallel_loop3A_300 = arith.constant 5.000000e-01 : f32
      %parallel_loop3A_301 = vector.broadcast %parallel_loop3A_300 : f32 to vector<16xf32>
      %parallel_loop3A_302 = arith.cmpf ogt, %parallel_loop3A_284, %parallel_loop3A_301 : vector<16xf32>
      %parallel_loop3A_303 = arith.constant 16 : i32
      %parallel_loop3A_304 = vector.broadcast %parallel_loop3A_303 : i32 to vector<16xi32>
      %parallel_loop3A_305 = arith.muli %parallel_loop3A_299, %parallel_loop3A_304 : vector<16xi32>
      %parallel_loop3A_306 = arith.addi %parallel_loop3A_305, %parallel_loop3A_279 : vector<16xi32>
      tpu.vector_store_idx %arg7[%parallel_loop3A_306], %parallel_loop3A_284 masked %parallel_loop3A_302 {add = true} : memref<640xf32, #tpu.memory_space<vmem>>[vector<16xi32>], vector<16xf32>, vector<16xi1>
      %parallel_loop3A_307 = arith.constant 320 : i32
      %parallel_loop3A_308 = vector.broadcast %parallel_loop3A_307 : i32 to vector<16xi32>
      %parallel_loop3A_309 = arith.addi %parallel_loop3A_306, %parallel_loop3A_308 : vector<16xi32>
      tpu.vector_store_idx %arg7[%parallel_loop3A_309], %parallel_loop3A_286 masked %parallel_loop3A_302 {add = true} : memref<640xf32, #tpu.memory_space<vmem>>[vector<16xi32>], vector<16xf32>, vector<16xi1>
    } {sc.loop_unroll_factor = 16 : i64, sc.parallel_access}
    %dma_wait3A_263 = arith.constant 24576 : i32
    %dma_wait3A_264 = tpu.memref_slice %arg5[%dma_wait3A_263] : memref<32768xf32, #tpu.memory_space<vmem>> -> memref<8192xf32, #tpu.memory_space<vmem>>
    %dma_wait3A_265 = tpu.memref_slice %arg2[%multiple_of3A_207] : memref<1048576xf32, #tpu.memory_space<hbm>> -> memref<8192xf32, #tpu.memory_space<hbm>>
    %dma_wait3A_266 = arith.constant 24576 : i32
    %dma_wait3A_267 = tpu.memref_slice %arg5[%dma_wait3A_266] : memref<32768xf32, #tpu.memory_space<vmem>> -> memref<8192xf32, #tpu.memory_space<vmem>>
    %dma_wait3A_268 = tpu.memref_slice %arg2[%multiple_of3A_207] : memref<1048576xf32, #tpu.memory_space<hbm>> -> memref<8192xf32, #tpu.memory_space<hbm>>
    tpu.wait_dma2 semaphore(%arg14 : memref<!tpu.dma_semaphore, #tpu.memory_space<semaphore_mem>>) src(%dma_wait3A_268 : memref<8192xf32, #tpu.memory_space<hbm>>) dst(%dma_wait3A_267 : memref<8192xf32, #tpu.memory_space<vmem>>)
    %dma_wait3A_269 = arith.constant 24576 : i32
    %dma_wait3A_270 = tpu.memref_slice %arg6[%dma_wait3A_269] : memref<32768xf32, #tpu.memory_space<vmem>> -> memref<8192xf32, #tpu.memory_space<vmem>>
    %dma_wait3A_271 = tpu.memref_slice %arg3[%multiple_of3A_207] : memref<1048576xf32, #tpu.memory_space<hbm>> -> memref<8192xf32, #tpu.memory_space<hbm>>
    %dma_wait3A_272 = arith.constant 24576 : i32
    %dma_wait3A_273 = tpu.memref_slice %arg6[%dma_wait3A_272] : memref<32768xf32, #tpu.memory_space<vmem>> -> memref<8192xf32, #tpu.memory_space<vmem>>
    %dma_wait3A_274 = tpu.memref_slice %arg3[%multiple_of3A_207] : memref<1048576xf32, #tpu.memory_space<hbm>> -> memref<8192xf32, #tpu.memory_space<hbm>>
    tpu.wait_dma2 semaphore(%arg15 : memref<!tpu.dma_semaphore, #tpu.memory_space<semaphore_mem>>) src(%dma_wait3A_274 : memref<8192xf32, #tpu.memory_space<hbm>>) dst(%dma_wait3A_273 : memref<8192xf32, #tpu.memory_space<vmem>>)
    %parallel_loop3A_275 = arith.constant 1536 : i32
    %parallel_loop3A_276 = arith.constant 2048 : i32
    %parallel_loop3A_277 = arith.constant 1 : i32
    scf.for %parallel_loop3A_278 = %parallel_loop3A_275 to %parallel_loop3A_276 step %parallel_loop3A_277  : i32 {
      %parallel_loop3A_279 = tpu.iota {dimensions = array<i32: 0>} : vector<16xi32>
      %parallel_loop3A_280 = arith.constant 16 : i32
      %parallel_loop3A_281 = arith.muli %parallel_loop3A_278, %parallel_loop3A_280 : i32
      %parallel_loop3A_282 = tpu.assume_multiple %parallel_loop3A_281, 16 : i32
      %parallel_loop3A_283 = arith.index_cast %parallel_loop3A_282 : i32 to index
      %parallel_loop3A_284 = tpu.vector_load %arg5[%parallel_loop3A_283] {strides = array<i32>} : memref<32768xf32, #tpu.memory_space<vmem>>, vector<16xf32>,
      %parallel_loop3A_285 = arith.index_cast %parallel_loop3A_282 : i32 to index
      %parallel_loop3A_286 = tpu.vector_load %arg6[%parallel_loop3A_285] {strides = array<i32>} : memref<32768xf32, #tpu.memory_space<vmem>>, vector<16xf32>,
      %parallel_loop3A_287 = arith.constant 5.000000e-01 : f32
      %parallel_loop3A_288 = vector.broadcast %parallel_loop3A_287 : f32 to vector<16xf32>
      %parallel_loop3A_289 = arith.subf %parallel_loop3A_284, %parallel_loop3A_288 : vector<16xf32>
      %parallel_loop3A_290 = arith.constant 4.000000e+01 : f32
      %parallel_loop3A_291 = vector.broadcast %parallel_loop3A_290 : f32 to vector<16xf32>
      %parallel_loop3A_292 = arith.mulf %parallel_loop3A_289, %parallel_loop3A_291 : vector<16xf32>
      %parallel_loop3A_293 = arith.fptosi %parallel_loop3A_292 : vector<16xf32> to vector<16xi32>
      %parallel_loop3A_294 = arith.constant 0 : i32
      %parallel_loop3A_295 = arith.constant 19 : i32
      %parallel_loop3A_296 = vector.broadcast %parallel_loop3A_294 : i32 to vector<16xi32>
      %parallel_loop3A_297 = arith.maxsi %parallel_loop3A_296, %parallel_loop3A_293 : vector<16xi32>
      %parallel_loop3A_298 = vector.broadcast %parallel_loop3A_295 : i32 to vector<16xi32>
      %parallel_loop3A_299 = arith.minsi %parallel_loop3A_298, %parallel_loop3A_297 : vector<16xi32>
      %parallel_loop3A_300 = arith.constant 5.000000e-01 : f32
      %parallel_loop3A_301 = vector.broadcast %parallel_loop3A_300 : f32 to vector<16xf32>
      %parallel_loop3A_302 = arith.cmpf ogt, %parallel_loop3A_284, %parallel_loop3A_301 : vector<16xf32>
      %parallel_loop3A_303 = arith.constant 16 : i32
      %parallel_loop3A_304 = vector.broadcast %parallel_loop3A_303 : i32 to vector<16xi32>
      %parallel_loop3A_305 = arith.muli %parallel_loop3A_299, %parallel_loop3A_304 : vector<16xi32>
      %parallel_loop3A_306 = arith.addi %parallel_loop3A_305, %parallel_loop3A_279 : vector<16xi32>
      tpu.vector_store_idx %arg7[%parallel_loop3A_306], %parallel_loop3A_284 masked %parallel_loop3A_302 {add = true} : memref<640xf32, #tpu.memory_space<vmem>>[vector<16xi32>], vector<16xf32>, vector<16xi1>
      %parallel_loop3A_307 = arith.constant 320 : i32
      %parallel_loop3A_308 = vector.broadcast %parallel_loop3A_307 : i32 to vector<16xi32>
      %parallel_loop3A_309 = arith.addi %parallel_loop3A_306, %parallel_loop3A_308 : vector<16xi32>
      tpu.vector_store_idx %arg7[%parallel_loop3A_309], %parallel_loop3A_286 masked %parallel_loop3A_302 {add = true} : memref<640xf32, #tpu.memory_space<vmem>>[vector<16xi32>], vector<16xf32>, vector<16xi1>
    } {sc.loop_unroll_factor = 16 : i64, sc.parallel_access}
    "tpu.region"() ({
      %run_scoped3A = tpu.sem_alloc : memref<!tpu.dma_semaphore, #tpu.memory_space<semaphore_mem>>
      %dma_start3A_278 = arith.constant 0 : i32
      %dma_start3A_279 = tpu.memref_slice %arg4[%add3A, %dma_start3A_278] : memref<32x640xf32, #tpu.memory_space<hbm>> -> memref<1x640xf32, #tpu.memory_space<hbm>>
      %dma_start3A_280 = tpu.memref_squeeze %dma_start3A_279 : memref<1x640xf32, #tpu.memory_space<hbm>> -> memref<640xf32, #tpu.memory_space<hbm>>
      %dma_start3A_281 = arith.constant 0 : i32
      %dma_start3A_282 = tpu.memref_slice %arg4[%add3A, %dma_start3A_281] : memref<32x640xf32, #tpu.memory_space<hbm>> -> memref<1x640xf32, #tpu.memory_space<hbm>>
      %dma_start3A_283 = tpu.memref_squeeze %dma_start3A_282 : memref<1x640xf32, #tpu.memory_space<hbm>> -> memref<640xf32, #tpu.memory_space<hbm>>
      tpu.enqueue_dma source(%arg7 : memref<640xf32, #tpu.memory_space<vmem>>) target(%dma_start3A_283 : memref<640xf32, #tpu.memory_space<hbm>>) target_semaphore(%run_scoped3A : memref<!tpu.dma_semaphore, #tpu.memory_space<semaphore_mem>>)
      %dma_wait3A_284 = arith.constant 0 : i32
      %dma_wait3A_285 = tpu.memref_slice %arg4[%add3A, %dma_wait3A_284] : memref<32x640xf32, #tpu.memory_space<hbm>> -> memref<1x640xf32, #tpu.memory_space<hbm>>
      %dma_wait3A_286 = tpu.memref_squeeze %dma_wait3A_285 : memref<1x640xf32, #tpu.memory_space<hbm>> -> memref<640xf32, #tpu.memory_space<hbm>>
      %dma_wait3A_287 = arith.constant 0 : i32
      %dma_wait3A_288 = tpu.memref_slice %arg4[%add3A, %dma_wait3A_287] : memref<32x640xf32, #tpu.memory_space<hbm>> -> memref<1x640xf32, #tpu.memory_space<hbm>>
      %dma_wait3A_289 = tpu.memref_squeeze %dma_wait3A_288 : memref<1x640xf32, #tpu.memory_space<hbm>> -> memref<640xf32, #tpu.memory_space<hbm>>
      tpu.wait_dma2 semaphore(%run_scoped3A : memref<!tpu.dma_semaphore, #tpu.memory_space<semaphore_mem>>) src(%arg7 : memref<640xf32, #tpu.memory_space<vmem>>) dst(%dma_wait3A_289 : memref<640xf32, #tpu.memory_space<hbm>>)
      tpu.yield
    }) : () -> ()
    return
  }
}

module attributes {stable_mosaic.version = 14 : i64} {
  func.func @_epilogue_body(%arg0: memref<32x640xf32, #tpu.memory_space<vmem>>, %arg1: memref<1xf32, #tpu.memory_space<smem>>) attributes {dimension_semantics = [], scalar_prefetch = 0 : i64, scratch_operands = 0 : i64, tpu.core_type = #tpu.core_type<tc>} {
    %get3A = arith.constant 0 : index
    %get3A_0 = arith.constant 0 : index
    %get3A_1 = vector.load %arg0[%get3A, %get3A_0] : memref<32x640xf32, #tpu.memory_space<vmem>>, vector<32x640xf32>
    %reduce_sum3A = arith.constant dense<0.000000e+00> : vector<640xf32>
    %reduce_sum3A_2 = vector.multi_reduction <add>, %get3A_1, %reduce_sum3A [0] : vector<32x640xf32> to vector<640xf32>
    %slice3A = vector.extract_strided_slice %reduce_sum3A_2 {offsets = [0], sizes = [16], strides = [1]} : vector<640xf32> to vector<16xf32>
    %reduce_sum3A_3 = vector.shape_cast %slice3A : vector<16xf32> to vector<1x16xf32>
    %reduce_sum3A_4 = arith.constant dense<0.000000e+00> : vector<1xf32>
    %reduce_sum3A_5 = vector.multi_reduction <add>, %reduce_sum3A_3, %reduce_sum3A_4 [1] : vector<1x16xf32> to vector<1xf32>
    %reduce_sum3A_6 = vector.shape_cast %reduce_sum3A_5 : vector<1xf32> to vector<1x1xf32>
    %reduce_sum3A_7 = vector.extract %reduce_sum3A_6[0, 0] : f32 from vector<1x1xf32>
    %slice3A_8 = vector.extract_strided_slice %reduce_sum3A_2 {offsets = [320], sizes = [16], strides = [1]} : vector<640xf32> to vector<16xf32>
    %reduce_sum3A_9 = vector.shape_cast %slice3A_8 : vector<16xf32> to vector<1x16xf32>
    %reduce_sum3A_10 = arith.constant dense<0.000000e+00> : vector<1xf32>
    %reduce_sum3A_11 = vector.multi_reduction <add>, %reduce_sum3A_9, %reduce_sum3A_10 [1] : vector<1x16xf32> to vector<1xf32>
    %reduce_sum3A_12 = vector.shape_cast %reduce_sum3A_11 : vector<1xf32> to vector<1x1xf32>
    %reduce_sum3A_13 = vector.extract %reduce_sum3A_12[0, 0] : f32 from vector<1x1xf32>
    %sub3A = arith.subf %reduce_sum3A_7, %reduce_sum3A_13 : f32
    %abs3A = math.absf %sub3A : f32
    %add3A = arith.constant 0.000000e+00 : f32
    %add3A_14 = arith.addf %add3A, %abs3A : f32
    %slice3A_15 = vector.extract_strided_slice %reduce_sum3A_2 {offsets = [16], sizes = [16], strides = [1]} : vector<640xf32> to vector<16xf32>
    %reduce_sum3A_16 = vector.shape_cast %slice3A_15 : vector<16xf32> to vector<1x16xf32>
    %reduce_sum3A_17 = arith.constant dense<0.000000e+00> : vector<1xf32>
    %reduce_sum3A_18 = vector.multi_reduction <add>, %reduce_sum3A_16, %reduce_sum3A_17 [1] : vector<1x16xf32> to vector<1xf32>
    %reduce_sum3A_19 = vector.shape_cast %reduce_sum3A_18 : vector<1xf32> to vector<1x1xf32>
    %reduce_sum3A_20 = vector.extract %reduce_sum3A_19[0, 0] : f32 from vector<1x1xf32>
    %slice3A_21 = vector.extract_strided_slice %reduce_sum3A_2 {offsets = [336], sizes = [16], strides = [1]} : vector<640xf32> to vector<16xf32>
    %reduce_sum3A_22 = vector.shape_cast %slice3A_21 : vector<16xf32> to vector<1x16xf32>
    %reduce_sum3A_23 = arith.constant dense<0.000000e+00> : vector<1xf32>
    %reduce_sum3A_24 = vector.multi_reduction <add>, %reduce_sum3A_22, %reduce_sum3A_23 [1] : vector<1x16xf32> to vector<1xf32>
    %reduce_sum3A_25 = vector.shape_cast %reduce_sum3A_24 : vector<1xf32> to vector<1x1xf32>
    %reduce_sum3A_26 = vector.extract %reduce_sum3A_25[0, 0] : f32 from vector<1x1xf32>
    %sub3A_27 = arith.subf %reduce_sum3A_20, %reduce_sum3A_26 : f32
    %abs3A_28 = math.absf %sub3A_27 : f32
    %add3A_29 = arith.addf %add3A_14, %abs3A_28 : f32
    %slice3A_30 = vector.extract_strided_slice %reduce_sum3A_2 {offsets = [32], sizes = [16], strides = [1]} : vector<640xf32> to vector<16xf32>
    %reduce_sum3A_31 = vector.shape_cast %slice3A_30 : vector<16xf32> to vector<1x16xf32>
    %reduce_sum3A_32 = arith.constant dense<0.000000e+00> : vector<1xf32>
    %reduce_sum3A_33 = vector.multi_reduction <add>, %reduce_sum3A_31, %reduce_sum3A_32 [1] : vector<1x16xf32> to vector<1xf32>
    %reduce_sum3A_34 = vector.shape_cast %reduce_sum3A_33 : vector<1xf32> to vector<1x1xf32>
    %reduce_sum3A_35 = vector.extract %reduce_sum3A_34[0, 0] : f32 from vector<1x1xf32>
    %slice3A_36 = vector.extract_strided_slice %reduce_sum3A_2 {offsets = [352], sizes = [16], strides = [1]} : vector<640xf32> to vector<16xf32>
    %reduce_sum3A_37 = vector.shape_cast %slice3A_36 : vector<16xf32> to vector<1x16xf32>
    %reduce_sum3A_38 = arith.constant dense<0.000000e+00> : vector<1xf32>
    %reduce_sum3A_39 = vector.multi_reduction <add>, %reduce_sum3A_37, %reduce_sum3A_38 [1] : vector<1x16xf32> to vector<1xf32>
    %reduce_sum3A_40 = vector.shape_cast %reduce_sum3A_39 : vector<1xf32> to vector<1x1xf32>
    %reduce_sum3A_41 = vector.extract %reduce_sum3A_40[0, 0] : f32 from vector<1x1xf32>
    %sub3A_42 = arith.subf %reduce_sum3A_35, %reduce_sum3A_41 : f32
    %abs3A_43 = math.absf %sub3A_42 : f32
    %add3A_44 = arith.addf %add3A_29, %abs3A_43 : f32
    %slice3A_45 = vector.extract_strided_slice %reduce_sum3A_2 {offsets = [48], sizes = [16], strides = [1]} : vector<640xf32> to vector<16xf32>
    %reduce_sum3A_46 = vector.shape_cast %slice3A_45 : vector<16xf32> to vector<1x16xf32>
    %reduce_sum3A_47 = arith.constant dense<0.000000e+00> : vector<1xf32>
    %reduce_sum3A_48 = vector.multi_reduction <add>, %reduce_sum3A_46, %reduce_sum3A_47 [1] : vector<1x16xf32> to vector<1xf32>
    %reduce_sum3A_49 = vector.shape_cast %reduce_sum3A_48 : vector<1xf32> to vector<1x1xf32>
    %reduce_sum3A_50 = vector.extract %reduce_sum3A_49[0, 0] : f32 from vector<1x1xf32>
    %slice3A_51 = vector.extract_strided_slice %reduce_sum3A_2 {offsets = [368], sizes = [16], strides = [1]} : vector<640xf32> to vector<16xf32>
    %reduce_sum3A_52 = vector.shape_cast %slice3A_51 : vector<16xf32> to vector<1x16xf32>
    %reduce_sum3A_53 = arith.constant dense<0.000000e+00> : vector<1xf32>
    %reduce_sum3A_54 = vector.multi_reduction <add>, %reduce_sum3A_52, %reduce_sum3A_53 [1] : vector<1x16xf32> to vector<1xf32>
    %reduce_sum3A_55 = vector.shape_cast %reduce_sum3A_54 : vector<1xf32> to vector<1x1xf32>
    %reduce_sum3A_56 = vector.extract %reduce_sum3A_55[0, 0] : f32 from vector<1x1xf32>
    %sub3A_57 = arith.subf %reduce_sum3A_50, %reduce_sum3A_56 : f32
    %abs3A_58 = math.absf %sub3A_57 : f32
    %add3A_59 = arith.addf %add3A_44, %abs3A_58 : f32
    %slice3A_60 = vector.extract_strided_slice %reduce_sum3A_2 {offsets = [64], sizes = [16], strides = [1]} : vector<640xf32> to vector<16xf32>
    %reduce_sum3A_61 = vector.shape_cast %slice3A_60 : vector<16xf32> to vector<1x16xf32>
    %reduce_sum3A_62 = arith.constant dense<0.000000e+00> : vector<1xf32>
    %reduce_sum3A_63 = vector.multi_reduction <add>, %reduce_sum3A_61, %reduce_sum3A_62 [1] : vector<1x16xf32> to vector<1xf32>
    %reduce_sum3A_64 = vector.shape_cast %reduce_sum3A_63 : vector<1xf32> to vector<1x1xf32>
    %reduce_sum3A_65 = vector.extract %reduce_sum3A_64[0, 0] : f32 from vector<1x1xf32>
    %slice3A_66 = vector.extract_strided_slice %reduce_sum3A_2 {offsets = [384], sizes = [16], strides = [1]} : vector<640xf32> to vector<16xf32>
    %reduce_sum3A_67 = vector.shape_cast %slice3A_66 : vector<16xf32> to vector<1x16xf32>
    %reduce_sum3A_68 = arith.constant dense<0.000000e+00> : vector<1xf32>
    %reduce_sum3A_69 = vector.multi_reduction <add>, %reduce_sum3A_67, %reduce_sum3A_68 [1] : vector<1x16xf32> to vector<1xf32>
    %reduce_sum3A_70 = vector.shape_cast %reduce_sum3A_69 : vector<1xf32> to vector<1x1xf32>
    %reduce_sum3A_71 = vector.extract %reduce_sum3A_70[0, 0] : f32 from vector<1x1xf32>
    %sub3A_72 = arith.subf %reduce_sum3A_65, %reduce_sum3A_71 : f32
    %abs3A_73 = math.absf %sub3A_72 : f32
    %add3A_74 = arith.addf %add3A_59, %abs3A_73 : f32
    %slice3A_75 = vector.extract_strided_slice %reduce_sum3A_2 {offsets = [80], sizes = [16], strides = [1]} : vector<640xf32> to vector<16xf32>
    %reduce_sum3A_76 = vector.shape_cast %slice3A_75 : vector<16xf32> to vector<1x16xf32>
    %reduce_sum3A_77 = arith.constant dense<0.000000e+00> : vector<1xf32>
    %reduce_sum3A_78 = vector.multi_reduction <add>, %reduce_sum3A_76, %reduce_sum3A_77 [1] : vector<1x16xf32> to vector<1xf32>
    %reduce_sum3A_79 = vector.shape_cast %reduce_sum3A_78 : vector<1xf32> to vector<1x1xf32>
    %reduce_sum3A_80 = vector.extract %reduce_sum3A_79[0, 0] : f32 from vector<1x1xf32>
    %slice3A_81 = vector.extract_strided_slice %reduce_sum3A_2 {offsets = [400], sizes = [16], strides = [1]} : vector<640xf32> to vector<16xf32>
    %reduce_sum3A_82 = vector.shape_cast %slice3A_81 : vector<16xf32> to vector<1x16xf32>
    %reduce_sum3A_83 = arith.constant dense<0.000000e+00> : vector<1xf32>
    %reduce_sum3A_84 = vector.multi_reduction <add>, %reduce_sum3A_82, %reduce_sum3A_83 [1] : vector<1x16xf32> to vector<1xf32>
    %reduce_sum3A_85 = vector.shape_cast %reduce_sum3A_84 : vector<1xf32> to vector<1x1xf32>
    %reduce_sum3A_86 = vector.extract %reduce_sum3A_85[0, 0] : f32 from vector<1x1xf32>
    %sub3A_87 = arith.subf %reduce_sum3A_80, %reduce_sum3A_86 : f32
    %abs3A_88 = math.absf %sub3A_87 : f32
    %add3A_89 = arith.addf %add3A_74, %abs3A_88 : f32
    %slice3A_90 = vector.extract_strided_slice %reduce_sum3A_2 {offsets = [96], sizes = [16], strides = [1]} : vector<640xf32> to vector<16xf32>
    %reduce_sum3A_91 = vector.shape_cast %slice3A_90 : vector<16xf32> to vector<1x16xf32>
    %reduce_sum3A_92 = arith.constant dense<0.000000e+00> : vector<1xf32>
    %reduce_sum3A_93 = vector.multi_reduction <add>, %reduce_sum3A_91, %reduce_sum3A_92 [1] : vector<1x16xf32> to vector<1xf32>
    %reduce_sum3A_94 = vector.shape_cast %reduce_sum3A_93 : vector<1xf32> to vector<1x1xf32>
    %reduce_sum3A_95 = vector.extract %reduce_sum3A_94[0, 0] : f32 from vector<1x1xf32>
    %slice3A_96 = vector.extract_strided_slice %reduce_sum3A_2 {offsets = [416], sizes = [16], strides = [1]} : vector<640xf32> to vector<16xf32>
    %reduce_sum3A_97 = vector.shape_cast %slice3A_96 : vector<16xf32> to vector<1x16xf32>
    %reduce_sum3A_98 = arith.constant dense<0.000000e+00> : vector<1xf32>
    %reduce_sum3A_99 = vector.multi_reduction <add>, %reduce_sum3A_97, %reduce_sum3A_98 [1] : vector<1x16xf32> to vector<1xf32>
    %reduce_sum3A_100 = vector.shape_cast %reduce_sum3A_99 : vector<1xf32> to vector<1x1xf32>
    %reduce_sum3A_101 = vector.extract %reduce_sum3A_100[0, 0] : f32 from vector<1x1xf32>
    %sub3A_102 = arith.subf %reduce_sum3A_95, %reduce_sum3A_101 : f32
    %abs3A_103 = math.absf %sub3A_102 : f32
    %add3A_104 = arith.addf %add3A_89, %abs3A_103 : f32
    %slice3A_105 = vector.extract_strided_slice %reduce_sum3A_2 {offsets = [112], sizes = [16], strides = [1]} : vector<640xf32> to vector<16xf32>
    %reduce_sum3A_106 = vector.shape_cast %slice3A_105 : vector<16xf32> to vector<1x16xf32>
    %reduce_sum3A_107 = arith.constant dense<0.000000e+00> : vector<1xf32>
    %reduce_sum3A_108 = vector.multi_reduction <add>, %reduce_sum3A_106, %reduce_sum3A_107 [1] : vector<1x16xf32> to vector<1xf32>
    %reduce_sum3A_109 = vector.shape_cast %reduce_sum3A_108 : vector<1xf32> to vector<1x1xf32>
    %reduce_sum3A_110 = vector.extract %reduce_sum3A_109[0, 0] : f32 from vector<1x1xf32>
    %slice3A_111 = vector.extract_strided_slice %reduce_sum3A_2 {offsets = [432], sizes = [16], strides = [1]} : vector<640xf32> to vector<16xf32>
    %reduce_sum3A_112 = vector.shape_cast %slice3A_111 : vector<16xf32> to vector<1x16xf32>
    %reduce_sum3A_113 = arith.constant dense<0.000000e+00> : vector<1xf32>
    %reduce_sum3A_114 = vector.multi_reduction <add>, %reduce_sum3A_112, %reduce_sum3A_113 [1] : vector<1x16xf32> to vector<1xf32>
    %reduce_sum3A_115 = vector.shape_cast %reduce_sum3A_114 : vector<1xf32> to vector<1x1xf32>
    %reduce_sum3A_116 = vector.extract %reduce_sum3A_115[0, 0] : f32 from vector<1x1xf32>
    %sub3A_117 = arith.subf %reduce_sum3A_110, %reduce_sum3A_116 : f32
    %abs3A_118 = math.absf %sub3A_117 : f32
    %add3A_119 = arith.addf %add3A_104, %abs3A_118 : f32
    %slice3A_120 = vector.extract_strided_slice %reduce_sum3A_2 {offsets = [128], sizes = [16], strides = [1]} : vector<640xf32> to vector<16xf32>
    %reduce_sum3A_121 = vector.shape_cast %slice3A_120 : vector<16xf32> to vector<1x16xf32>
    %reduce_sum3A_122 = arith.constant dense<0.000000e+00> : vector<1xf32>
    %reduce_sum3A_123 = vector.multi_reduction <add>, %reduce_sum3A_121, %reduce_sum3A_122 [1] : vector<1x16xf32> to vector<1xf32>
    %reduce_sum3A_124 = vector.shape_cast %reduce_sum3A_123 : vector<1xf32> to vector<1x1xf32>
    %reduce_sum3A_125 = vector.extract %reduce_sum3A_124[0, 0] : f32 from vector<1x1xf32>
    %slice3A_126 = vector.extract_strided_slice %reduce_sum3A_2 {offsets = [448], sizes = [16], strides = [1]} : vector<640xf32> to vector<16xf32>
    %reduce_sum3A_127 = vector.shape_cast %slice3A_126 : vector<16xf32> to vector<1x16xf32>
    %reduce_sum3A_128 = arith.constant dense<0.000000e+00> : vector<1xf32>
    %reduce_sum3A_129 = vector.multi_reduction <add>, %reduce_sum3A_127, %reduce_sum3A_128 [1] : vector<1x16xf32> to vector<1xf32>
    %reduce_sum3A_130 = vector.shape_cast %reduce_sum3A_129 : vector<1xf32> to vector<1x1xf32>
    %reduce_sum3A_131 = vector.extract %reduce_sum3A_130[0, 0] : f32 from vector<1x1xf32>
    %sub3A_132 = arith.subf %reduce_sum3A_125, %reduce_sum3A_131 : f32
    %abs3A_133 = math.absf %sub3A_132 : f32
    %add3A_134 = arith.addf %add3A_119, %abs3A_133 : f32
    %slice3A_135 = vector.extract_strided_slice %reduce_sum3A_2 {offsets = [144], sizes = [16], strides = [1]} : vector<640xf32> to vector<16xf32>
    %reduce_sum3A_136 = vector.shape_cast %slice3A_135 : vector<16xf32> to vector<1x16xf32>
    %reduce_sum3A_137 = arith.constant dense<0.000000e+00> : vector<1xf32>
    %reduce_sum3A_138 = vector.multi_reduction <add>, %reduce_sum3A_136, %reduce_sum3A_137 [1] : vector<1x16xf32> to vector<1xf32>
    %reduce_sum3A_139 = vector.shape_cast %reduce_sum3A_138 : vector<1xf32> to vector<1x1xf32>
    %reduce_sum3A_140 = vector.extract %reduce_sum3A_139[0, 0] : f32 from vector<1x1xf32>
    %slice3A_141 = vector.extract_strided_slice %reduce_sum3A_2 {offsets = [464], sizes = [16], strides = [1]} : vector<640xf32> to vector<16xf32>
    %reduce_sum3A_142 = vector.shape_cast %slice3A_141 : vector<16xf32> to vector<1x16xf32>
    %reduce_sum3A_143 = arith.constant dense<0.000000e+00> : vector<1xf32>
    %reduce_sum3A_144 = vector.multi_reduction <add>, %reduce_sum3A_142, %reduce_sum3A_143 [1] : vector<1x16xf32> to vector<1xf32>
    %reduce_sum3A_145 = vector.shape_cast %reduce_sum3A_144 : vector<1xf32> to vector<1x1xf32>
    %reduce_sum3A_146 = vector.extract %reduce_sum3A_145[0, 0] : f32 from vector<1x1xf32>
    %sub3A_147 = arith.subf %reduce_sum3A_140, %reduce_sum3A_146 : f32
    %abs3A_148 = math.absf %sub3A_147 : f32
    %add3A_149 = arith.addf %add3A_134, %abs3A_148 : f32
    %slice3A_150 = vector.extract_strided_slice %reduce_sum3A_2 {offsets = [160], sizes = [16], strides = [1]} : vector<640xf32> to vector<16xf32>
    %reduce_sum3A_151 = vector.shape_cast %slice3A_150 : vector<16xf32> to vector<1x16xf32>
    %reduce_sum3A_152 = arith.constant dense<0.000000e+00> : vector<1xf32>
    %reduce_sum3A_153 = vector.multi_reduction <add>, %reduce_sum3A_151, %reduce_sum3A_152 [1] : vector<1x16xf32> to vector<1xf32>
    %reduce_sum3A_154 = vector.shape_cast %reduce_sum3A_153 : vector<1xf32> to vector<1x1xf32>
    %reduce_sum3A_155 = vector.extract %reduce_sum3A_154[0, 0] : f32 from vector<1x1xf32>
    %slice3A_156 = vector.extract_strided_slice %reduce_sum3A_2 {offsets = [480], sizes = [16], strides = [1]} : vector<640xf32> to vector<16xf32>
    %reduce_sum3A_157 = vector.shape_cast %slice3A_156 : vector<16xf32> to vector<1x16xf32>
    %reduce_sum3A_158 = arith.constant dense<0.000000e+00> : vector<1xf32>
    %reduce_sum3A_159 = vector.multi_reduction <add>, %reduce_sum3A_157, %reduce_sum3A_158 [1] : vector<1x16xf32> to vector<1xf32>
    %reduce_sum3A_160 = vector.shape_cast %reduce_sum3A_159 : vector<1xf32> to vector<1x1xf32>
    %reduce_sum3A_161 = vector.extract %reduce_sum3A_160[0, 0] : f32 from vector<1x1xf32>
    %sub3A_162 = arith.subf %reduce_sum3A_155, %reduce_sum3A_161 : f32
    %abs3A_163 = math.absf %sub3A_162 : f32
    %add3A_164 = arith.addf %add3A_149, %abs3A_163 : f32
    %slice3A_165 = vector.extract_strided_slice %reduce_sum3A_2 {offsets = [176], sizes = [16], strides = [1]} : vector<640xf32> to vector<16xf32>
    %reduce_sum3A_166 = vector.shape_cast %slice3A_165 : vector<16xf32> to vector<1x16xf32>
    %reduce_sum3A_167 = arith.constant dense<0.000000e+00> : vector<1xf32>
    %reduce_sum3A_168 = vector.multi_reduction <add>, %reduce_sum3A_166, %reduce_sum3A_167 [1] : vector<1x16xf32> to vector<1xf32>
    %reduce_sum3A_169 = vector.shape_cast %reduce_sum3A_168 : vector<1xf32> to vector<1x1xf32>
    %reduce_sum3A_170 = vector.extract %reduce_sum3A_169[0, 0] : f32 from vector<1x1xf32>
    %slice3A_171 = vector.extract_strided_slice %reduce_sum3A_2 {offsets = [496], sizes = [16], strides = [1]} : vector<640xf32> to vector<16xf32>
    %reduce_sum3A_172 = vector.shape_cast %slice3A_171 : vector<16xf32> to vector<1x16xf32>
    %reduce_sum3A_173 = arith.constant dense<0.000000e+00> : vector<1xf32>
    %reduce_sum3A_174 = vector.multi_reduction <add>, %reduce_sum3A_172, %reduce_sum3A_173 [1] : vector<1x16xf32> to vector<1xf32>
    %reduce_sum3A_175 = vector.shape_cast %reduce_sum3A_174 : vector<1xf32> to vector<1x1xf32>
    %reduce_sum3A_176 = vector.extract %reduce_sum3A_175[0, 0] : f32 from vector<1x1xf32>
    %sub3A_177 = arith.subf %reduce_sum3A_170, %reduce_sum3A_176 : f32
    %abs3A_178 = math.absf %sub3A_177 : f32
    %add3A_179 = arith.addf %add3A_164, %abs3A_178 : f32
    %slice3A_180 = vector.extract_strided_slice %reduce_sum3A_2 {offsets = [192], sizes = [16], strides = [1]} : vector<640xf32> to vector<16xf32>
    %reduce_sum3A_181 = vector.shape_cast %slice3A_180 : vector<16xf32> to vector<1x16xf32>
    %reduce_sum3A_182 = arith.constant dense<0.000000e+00> : vector<1xf32>
    %reduce_sum3A_183 = vector.multi_reduction <add>, %reduce_sum3A_181, %reduce_sum3A_182 [1] : vector<1x16xf32> to vector<1xf32>
    %reduce_sum3A_184 = vector.shape_cast %reduce_sum3A_183 : vector<1xf32> to vector<1x1xf32>
    %reduce_sum3A_185 = vector.extract %reduce_sum3A_184[0, 0] : f32 from vector<1x1xf32>
    %slice3A_186 = vector.extract_strided_slice %reduce_sum3A_2 {offsets = [512], sizes = [16], strides = [1]} : vector<640xf32> to vector<16xf32>
    %reduce_sum3A_187 = vector.shape_cast %slice3A_186 : vector<16xf32> to vector<1x16xf32>
    %reduce_sum3A_188 = arith.constant dense<0.000000e+00> : vector<1xf32>
    %reduce_sum3A_189 = vector.multi_reduction <add>, %reduce_sum3A_187, %reduce_sum3A_188 [1] : vector<1x16xf32> to vector<1xf32>
    %reduce_sum3A_190 = vector.shape_cast %reduce_sum3A_189 : vector<1xf32> to vector<1x1xf32>
    %reduce_sum3A_191 = vector.extract %reduce_sum3A_190[0, 0] : f32 from vector<1x1xf32>
    %sub3A_192 = arith.subf %reduce_sum3A_185, %reduce_sum3A_191 : f32
    %abs3A_193 = math.absf %sub3A_192 : f32
    %add3A_194 = arith.addf %add3A_179, %abs3A_193 : f32
    %slice3A_195 = vector.extract_strided_slice %reduce_sum3A_2 {offsets = [208], sizes = [16], strides = [1]} : vector<640xf32> to vector<16xf32>
    %reduce_sum3A_196 = vector.shape_cast %slice3A_195 : vector<16xf32> to vector<1x16xf32>
    %reduce_sum3A_197 = arith.constant dense<0.000000e+00> : vector<1xf32>
    %reduce_sum3A_198 = vector.multi_reduction <add>, %reduce_sum3A_196, %reduce_sum3A_197 [1] : vector<1x16xf32> to vector<1xf32>
    %reduce_sum3A_199 = vector.shape_cast %reduce_sum3A_198 : vector<1xf32> to vector<1x1xf32>
    %reduce_sum3A_200 = vector.extract %reduce_sum3A_199[0, 0] : f32 from vector<1x1xf32>
    %slice3A_201 = vector.extract_strided_slice %reduce_sum3A_2 {offsets = [528], sizes = [16], strides = [1]} : vector<640xf32> to vector<16xf32>
    %reduce_sum3A_202 = vector.shape_cast %slice3A_201 : vector<16xf32> to vector<1x16xf32>
    %reduce_sum3A_203 = arith.constant dense<0.000000e+00> : vector<1xf32>
    %reduce_sum3A_204 = vector.multi_reduction <add>, %reduce_sum3A_202, %reduce_sum3A_203 [1] : vector<1x16xf32> to vector<1xf32>
    %reduce_sum3A_205 = vector.shape_cast %reduce_sum3A_204 : vector<1xf32> to vector<1x1xf32>
    %reduce_sum3A_206 = vector.extract %reduce_sum3A_205[0, 0] : f32 from vector<1x1xf32>
    %sub3A_207 = arith.subf %reduce_sum3A_200, %reduce_sum3A_206 : f32
    %abs3A_208 = math.absf %sub3A_207 : f32
    %add3A_209 = arith.addf %add3A_194, %abs3A_208 : f32
    %slice3A_210 = vector.extract_strided_slice %reduce_sum3A_2 {offsets = [224], sizes = [16], strides = [1]} : vector<640xf32> to vector<16xf32>
    %reduce_sum3A_211 = vector.shape_cast %slice3A_210 : vector<16xf32> to vector<1x16xf32>
    %reduce_sum3A_212 = arith.constant dense<0.000000e+00> : vector<1xf32>
    %reduce_sum3A_213 = vector.multi_reduction <add>, %reduce_sum3A_211, %reduce_sum3A_212 [1] : vector<1x16xf32> to vector<1xf32>
    %reduce_sum3A_214 = vector.shape_cast %reduce_sum3A_213 : vector<1xf32> to vector<1x1xf32>
    %reduce_sum3A_215 = vector.extract %reduce_sum3A_214[0, 0] : f32 from vector<1x1xf32>
    %slice3A_216 = vector.extract_strided_slice %reduce_sum3A_2 {offsets = [544], sizes = [16], strides = [1]} : vector<640xf32> to vector<16xf32>
    %reduce_sum3A_217 = vector.shape_cast %slice3A_216 : vector<16xf32> to vector<1x16xf32>
    %reduce_sum3A_218 = arith.constant dense<0.000000e+00> : vector<1xf32>
    %reduce_sum3A_219 = vector.multi_reduction <add>, %reduce_sum3A_217, %reduce_sum3A_218 [1] : vector<1x16xf32> to vector<1xf32>
    %reduce_sum3A_220 = vector.shape_cast %reduce_sum3A_219 : vector<1xf32> to vector<1x1xf32>
    %reduce_sum3A_221 = vector.extract %reduce_sum3A_220[0, 0] : f32 from vector<1x1xf32>
    %sub3A_222 = arith.subf %reduce_sum3A_215, %reduce_sum3A_221 : f32
    %abs3A_223 = math.absf %sub3A_222 : f32
    %add3A_224 = arith.addf %add3A_209, %abs3A_223 : f32
    %slice3A_225 = vector.extract_strided_slice %reduce_sum3A_2 {offsets = [240], sizes = [16], strides = [1]} : vector<640xf32> to vector<16xf32>
    %reduce_sum3A_226 = vector.shape_cast %slice3A_225 : vector<16xf32> to vector<1x16xf32>
    %reduce_sum3A_227 = arith.constant dense<0.000000e+00> : vector<1xf32>
    %reduce_sum3A_228 = vector.multi_reduction <add>, %reduce_sum3A_226, %reduce_sum3A_227 [1] : vector<1x16xf32> to vector<1xf32>
    %reduce_sum3A_229 = vector.shape_cast %reduce_sum3A_228 : vector<1xf32> to vector<1x1xf32>
    %reduce_sum3A_230 = vector.extract %reduce_sum3A_229[0, 0] : f32 from vector<1x1xf32>
    %slice3A_231 = vector.extract_strided_slice %reduce_sum3A_2 {offsets = [560], sizes = [16], strides = [1]} : vector<640xf32> to vector<16xf32>
    %reduce_sum3A_232 = vector.shape_cast %slice3A_231 : vector<16xf32> to vector<1x16xf32>
    %reduce_sum3A_233 = arith.constant dense<0.000000e+00> : vector<1xf32>
    %reduce_sum3A_234 = vector.multi_reduction <add>, %reduce_sum3A_232, %reduce_sum3A_233 [1] : vector<1x16xf32> to vector<1xf32>
    %reduce_sum3A_235 = vector.shape_cast %reduce_sum3A_234 : vector<1xf32> to vector<1x1xf32>
    %reduce_sum3A_236 = vector.extract %reduce_sum3A_235[0, 0] : f32 from vector<1x1xf32>
    %sub3A_237 = arith.subf %reduce_sum3A_230, %reduce_sum3A_236 : f32
    %abs3A_238 = math.absf %sub3A_237 : f32
    %add3A_239 = arith.addf %add3A_224, %abs3A_238 : f32
    %slice3A_240 = vector.extract_strided_slice %reduce_sum3A_2 {offsets = [256], sizes = [16], strides = [1]} : vector<640xf32> to vector<16xf32>
    %reduce_sum3A_241 = vector.shape_cast %slice3A_240 : vector<16xf32> to vector<1x16xf32>
    %reduce_sum3A_242 = arith.constant dense<0.000000e+00> : vector<1xf32>
    %reduce_sum3A_243 = vector.multi_reduction <add>, %reduce_sum3A_241, %reduce_sum3A_242 [1] : vector<1x16xf32> to vector<1xf32>
    %reduce_sum3A_244 = vector.shape_cast %reduce_sum3A_243 : vector<1xf32> to vector<1x1xf32>
    %reduce_sum3A_245 = vector.extract %reduce_sum3A_244[0, 0] : f32 from vector<1x1xf32>
    %slice3A_246 = vector.extract_strided_slice %reduce_sum3A_2 {offsets = [576], sizes = [16], strides = [1]} : vector<640xf32> to vector<16xf32>
    %reduce_sum3A_247 = vector.shape_cast %slice3A_246 : vector<16xf32> to vector<1x16xf32>
    %reduce_sum3A_248 = arith.constant dense<0.000000e+00> : vector<1xf32>
    %reduce_sum3A_249 = vector.multi_reduction <add>, %reduce_sum3A_247, %reduce_sum3A_248 [1] : vector<1x16xf32> to vector<1xf32>
    %reduce_sum3A_250 = vector.shape_cast %reduce_sum3A_249 : vector<1xf32> to vector<1x1xf32>
    %reduce_sum3A_251 = vector.extract %reduce_sum3A_250[0, 0] : f32 from vector<1x1xf32>
    %sub3A_252 = arith.subf %reduce_sum3A_245, %reduce_sum3A_251 : f32
    %abs3A_253 = math.absf %sub3A_252 : f32
    %add3A_254 = arith.addf %add3A_239, %abs3A_253 : f32
    %slice3A_255 = vector.extract_strided_slice %reduce_sum3A_2 {offsets = [272], sizes = [16], strides = [1]} : vector<640xf32> to vector<16xf32>
    %reduce_sum3A_256 = vector.shape_cast %slice3A_255 : vector<16xf32> to vector<1x16xf32>
    %reduce_sum3A_257 = arith.constant dense<0.000000e+00> : vector<1xf32>
    %reduce_sum3A_258 = vector.multi_reduction <add>, %reduce_sum3A_256, %reduce_sum3A_257 [1] : vector<1x16xf32> to vector<1xf32>
    %reduce_sum3A_259 = vector.shape_cast %reduce_sum3A_258 : vector<1xf32> to vector<1x1xf32>
    %reduce_sum3A_260 = vector.extract %reduce_sum3A_259[0, 0] : f32 from vector<1x1xf32>
    %slice3A_261 = vector.extract_strided_slice %reduce_sum3A_2 {offsets = [592], sizes = [16], strides = [1]} : vector<640xf32> to vector<16xf32>
    %reduce_sum3A_262 = vector.shape_cast %slice3A_261 : vector<16xf32> to vector<1x16xf32>
    %reduce_sum3A_263 = arith.constant dense<0.000000e+00> : vector<1xf32>
    %reduce_sum3A_264 = vector.multi_reduction <add>, %reduce_sum3A_262, %reduce_sum3A_263 [1] : vector<1x16xf32> to vector<1xf32>
    %reduce_sum3A_265 = vector.shape_cast %reduce_sum3A_264 : vector<1xf32> to vector<1x1xf32>
    %reduce_sum3A_266 = vector.extract %reduce_sum3A_265[0, 0] : f32 from vector<1x1xf32>
    %sub3A_267 = arith.subf %reduce_sum3A_260, %reduce_sum3A_266 : f32
    %abs3A_268 = math.absf %sub3A_267 : f32
    %add3A_269 = arith.addf %add3A_254, %abs3A_268 : f32
    %slice3A_270 = vector.extract_strided_slice %reduce_sum3A_2 {offsets = [288], sizes = [16], strides = [1]} : vector<640xf32> to vector<16xf32>
    %reduce_sum3A_271 = vector.shape_cast %slice3A_270 : vector<16xf32> to vector<1x16xf32>
    %reduce_sum3A_272 = arith.constant dense<0.000000e+00> : vector<1xf32>
    %reduce_sum3A_273 = vector.multi_reduction <add>, %reduce_sum3A_271, %reduce_sum3A_272 [1] : vector<1x16xf32> to vector<1xf32>
    %reduce_sum3A_274 = vector.shape_cast %reduce_sum3A_273 : vector<1xf32> to vector<1x1xf32>
    %reduce_sum3A_275 = vector.extract %reduce_sum3A_274[0, 0] : f32 from vector<1x1xf32>
    %slice3A_276 = vector.extract_strided_slice %reduce_sum3A_2 {offsets = [608], sizes = [16], strides = [1]} : vector<640xf32> to vector<16xf32>
    %reduce_sum3A_277 = vector.shape_cast %slice3A_276 : vector<16xf32> to vector<1x16xf32>
    %reduce_sum3A_278 = arith.constant dense<0.000000e+00> : vector<1xf32>
    %reduce_sum3A_279 = vector.multi_reduction <add>, %reduce_sum3A_277, %reduce_sum3A_278 [1] : vector<1x16xf32> to vector<1xf32>
    %reduce_sum3A_280 = vector.shape_cast %reduce_sum3A_279 : vector<1xf32> to vector<1x1xf32>
    %reduce_sum3A_281 = vector.extract %reduce_sum3A_280[0, 0] : f32 from vector<1x1xf32>
    %sub3A_282 = arith.subf %reduce_sum3A_275, %reduce_sum3A_281 : f32
    %abs3A_283 = math.absf %sub3A_282 : f32
    %add3A_284 = arith.addf %add3A_269, %abs3A_283 : f32
    %slice3A_285 = vector.extract_strided_slice %reduce_sum3A_2 {offsets = [304], sizes = [16], strides = [1]} : vector<640xf32> to vector<16xf32>
    %reduce_sum3A_286 = vector.shape_cast %slice3A_285 : vector<16xf32> to vector<1x16xf32>
    %reduce_sum3A_287 = arith.constant dense<0.000000e+00> : vector<1xf32>
    %reduce_sum3A_288 = vector.multi_reduction <add>, %reduce_sum3A_286, %reduce_sum3A_287 [1] : vector<1x16xf32> to vector<1xf32>
    %reduce_sum3A_289 = vector.shape_cast %reduce_sum3A_288 : vector<1xf32> to vector<1x1xf32>
    %reduce_sum3A_290 = vector.extract %reduce_sum3A_289[0, 0] : f32 from vector<1x1xf32>
    %slice3A_291 = vector.extract_strided_slice %reduce_sum3A_2 {offsets = [624], sizes = [16], strides = [1]} : vector<640xf32> to vector<16xf32>
    %reduce_sum3A_292 = vector.shape_cast %slice3A_291 : vector<16xf32> to vector<1x16xf32>
    %reduce_sum3A_293 = arith.constant dense<0.000000e+00> : vector<1xf32>
    %reduce_sum3A_294 = vector.multi_reduction <add>, %reduce_sum3A_292, %reduce_sum3A_293 [1] : vector<1x16xf32> to vector<1xf32>
    %reduce_sum3A_295 = vector.shape_cast %reduce_sum3A_294 : vector<1xf32> to vector<1x1xf32>
    %reduce_sum3A_296 = vector.extract %reduce_sum3A_295[0, 0] : f32 from vector<1x1xf32>
    %sub3A_297 = arith.subf %reduce_sum3A_290, %reduce_sum3A_296 : f32
    %abs3A_298 = math.absf %sub3A_297 : f32
    %add3A_299 = arith.addf %add3A_284, %abs3A_298 : f32
    %mul3A = arith.constant 9.53674316E-7 : f32
    %mul3A_300 = arith.mulf %add3A_299, %mul3A : f32
    %swap3A = arith.constant 0 : index
    %swap3A_301 = memref.load %arg1[%swap3A] : memref<1xf32, #tpu.memory_space<smem>>
    memref.store %mul3A_300, %arg1[%swap3A] : memref<1xf32, #tpu.memory_space<smem>>
    return
  }
}

</mosaic_0001>

<sc_bundles>
// kernel: kernel.4.cloned.1.call-start
scs
__scs_entry_jumppad:
0x0: {  	(pc) =	sbr.rel $0x88, $3  }
0x1: {  	(tag) =	ssettag $0x0;
	lr =	simm.s32 $0x1  }
0x2: {  	[smem:$0x3F9F] =	sst lr;
	_ =	strace $0xD0000000  }
0x3: {  	_ = 	snop  }
0x4: {  	_ = 	snop  }
0x5: {  	_ = 	snop  }
0x6: {  	_ = 	snop  }
0x7: {  	_ = 	snop  }
__scs_overlays_trampoline_lowered:
0x8: {  	[smem:$0x3FAE] =	sst s0  }
0x9: {  	[smem:$0x3FAF] =	sst s1  }
0xa: {  	[smem:$0x3FB0] =	sst s2  }
0xb: {  	[smem:$0x3FB1] =	sst s3  }
0xc: {  	[smem:$0x3FB2] =	sst s4  }
0xd: {  	[smem:$0x3FB3] =	sst s5  }
0xe: {  	[smem:$0x3FB4] =	sst s6  }
0xf: {  	[smem:$0x3FB5] =	sst s7  }
0x10: {  	[smem:$0x3FB6] =	sst s8  }
0x11: {  	[smem:$0x3FB7] =	sst s9;
	s0 =	simm.s32 @!p0 $0x0  }
0x12: {  	s1 =	sld [smem:$0x3F9D];
	s0 =	simm.s32 @p0 $0x1  }
0x13: {  	[smem:$0x3FB8] =	sst s0;
	s0 =	simm.s32 @!p1 $0x0  }
0x14: {  	s2 =	sld [smem:$0x3F9C];
	s0 =	simm.s32 @p1 $0x1  }
0x15: {  	[smem:$0x3FB9] =	sst s0;
	s0 =	simm.s32 @!p2 $0x0  }
0x16: {  	s3 =	sld [smem:$0x3FDB];
	s0 =	simm.s32 @p2 $0x1  }
0x17: {  	s4 =	simm.s32 $0x1BF5;
	[smem:$0x3FBB] =	sst s0  }
0x18: {  	s0 =	sld [smem:$0x3F9E];
	_ =	swait.ge [sflag:s4], $0x0  }
0x19: {  	s7 =	sld [smem:$0x3F9F]  }
0x1a: {  	s8 =	sadd.s32 $0xFFFFE003, lr  }
0x1b: {  	s9 =	sadd.s32 $0xFFFFFEF7, lr;
	s5 =	simm.s32 $0xFFFFFFFF;
	p2 =	slt.u32 s8, $0xFFFFF086  }
0x1c: {  	p1 =	slt.u32 s9, $0xF7A;
	s5 =	simm.s32 @!p2 $0x0  }
0x1d: {  	s5 =	simm.s32 @p1 $0x1;
	p0 =	seq.s32 s7, s2  }
0x1e: {  	s7 =	smul.u32 @!p0 $0xF7A, s2;
	p2 =	seq.s32 @!p0 s5, $0x0  }
0x1f: {  	s9 =	smul.u32 $0xF7A, s1;
	s8 =	simm.s32 @!p0 $0x1BF5;
	p2 =	por !p2, p0  }
0x20: {  	[sflag:s8] =	ssyncset.s32 @!p0 $0xFFFFF086;
	s6 =	sadd.s32 @!p0 s3, s7;
	s7 =	simm.s32 @!p0 $0x108  }
0x21: {  	s3 =	sadd.s32 s3, s9;
	s6 =	sadd.s32 @!p0 $0x88, s6;
	s7 =	simm.s32 @p2 $0x1082  }
0x22: {  	[simem:s7], [sflag:s8] =	dma.local @!p0 [hbm:s6], $0xF7A  }
0x23: {  	s9 =	sor.u32 $0xD0000000, s2;
	s6 =	simm.s32 $0x108;
	_ =	swait.ge @!p0 [sflag:s8], $0x0  }
0x24: {  	s3 =	sadd.s32 $0x88, s3;
	s6 =	simm.s32 @!p1 $0x1082;
	[sflag:s4] =	ssyncset.s32 $0xFFFFF086  }
0x25: {  	[simem:s6], [sflag:s4] =	dma.local [hbm:s3], $0xF7A  }
0x26: {  	[smem:$0x3F9F] =	sst s1;
	(tag) =	ssettag s2;
	_ =	strace s9  }
0x27: {  	s1 =	sld [smem:$0x3FAF]  }
0x28: {  	s2 =	sld [smem:$0x3FB0]  }
0x29: {  	s4 =	sld [smem:$0x3FB2]  }
0x2a: {  	p0 =	seq.s32 s5, $0x0;
	s5 =	sld [smem:$0x3FB3]  }
0x2b: {  	s6 =	sld [smem:$0x3FB4]  }
0x2c: {  	s7 =	sld [smem:$0x3FB5]  }
0x2d: {  	s3 =	simm.s32 $0x108;
	s8 =	sld [smem:$0x3FB6]  }
0x2e: {  	s3 =	simm.s32 @!p0 $0x1082;
	s9 =	sld [smem:$0x3FB7]  }
0x2f: {  	lr =	sadd.s32 s0, s3;
	s0 =	sld [smem:$0x3FAE]  }
0x30: {  	s3 =	sld [smem:$0x3FB1]  }
0x31: {  	[smem:$0x3FBA] =	sst s10  }
0x32: {  	s10 =	sld [smem:$0x3FB8];
	_ =	sdelay $0x3  }
0x33: {  	p0 =	seq.s32 s10, $0x1;
	s10 =	sld [smem:$0x3FBA];
	_ =	sdelay $0x3  }
0x34: {  	[smem:$0x3FBA] =	sst s10  }
0x35: {  	s10 =	sld [smem:$0x3FB9];
	_ =	sdelay $0x3  }
0x36: {  	p1 =	seq.s32 s10, $0x1;
	s10 =	sld [smem:$0x3FBA];
	_ =	sdelay $0x3  }
0x37: {  	[smem:$0x3FBA] =	sst s10  }
0x38: {  	s10 =	sld [smem:$0x3FBB]  }
0x39: {  	_ = 	snop;
	(pc) =	sbr.ind lr, $3  }
0x3a: {  	_ = 	snop  }
0x3b: {  	_ = 	snop  }
0x3c: {  	p2 =	seq.s32 s10, $0x1;
	s10 =	sld [smem:$0x3FBA]  }
0x3d: {  	_ =	shalt  }
0x3e: {  	_ =	shalt  }
0x3f: {  	_ =	shalt  }
0x40: {  	_ =	shalt  }
0x41: {  	_ =	shalt  }
0x42: {  	_ =	shalt  }
0x43: {  	_ =	shalt  }
0x44: {  	_ =	shalt  }
0x45: {  	_ =	shalt  }
0x46: {  	_ =	shalt  }
0x47: {  	_ =	shalt  }
0x48: {  	_ =	shalt  }
0x49: {  	_ =	shalt  }
0x4a: {  	_ =	shalt  }
0x4b: {  	_ =	shalt  }
0x4c: {  	_ =	shalt  }
0x4d: {  	_ =	shalt  }
0x4e: {  	_ =	shalt  }
0x4f: {  	_ =	shalt  }
0x50: {  	_ =	shalt  }
0x51: {  	_ =	shalt  }
0x52: {  	_ =	shalt  }
0x53: {  	_ =	shalt  }
0x54: {  	_ =	shalt  }
0x55: {  	_ =	shalt  }
0x56: {  	_ =	shalt  }
0x57: {  	_ =	shalt  }
0x58: {  	_ =	shalt  }
0x59: {  	_ =	shalt  }
0x5a: {  	_ =	shalt  }
0x5b: {  	_ =	shalt  }
0x5c: {  	_ =	shalt  }
0x5d: {  	_ =	shalt  }
0x5e: {  	_ =	shalt  }
0x5f: {  	_ =	shalt  }
0x60: {  	_ =	shalt  }
0x61: {  	_ =	shalt  }
0x62: {  	_ =	shalt  }
0x63: {  	_ =	shalt  }
0x64: {  	_ =	shalt  }
0x65: {  	_ =	shalt  }
0x66: {  	_ =	shalt  }
0x67: {  	_ =	shalt  }
0x68: {  	_ =	shalt  }
0x69: {  	_ =	shalt  }
0x6a: {  	_ =	shalt  }
0x6b: {  	_ =	shalt  }
0x6c: {  	_ =	shalt  }
0x6d: {  	_ =	shalt  }
0x6e: {  	_ =	shalt  }
0x6f: {  	_ =	shalt  }
0x70: {  	_ =	shalt  }
0x71: {  	_ =	shalt  }
0x72: {  	_ =	shalt  }
0x73: {  	_ =	shalt  }
0x74: {  	_ =	shalt  }
0x75: {  	_ =	shalt  }
0x76: {  	_ =	shalt  }
0x77: {  	_ =	shalt  }
0x78: {  	_ =	shalt  }
0x79: {  	_ =	shalt  }
0x7a: {  	_ =	shalt  }
0x7b: {  	_ =	shalt  }
0x7c: {  	_ =	shalt  }
0x7d: {  	_ =	shalt  }
0x7e: {  	_ =	shalt  }
0x7f: {  	_ =	shalt  }
0x80: {  	_ =	shalt  }
0x81: {  	_ =	shalt  }
0x82: {  	_ =	shalt  }
0x83: {  	_ =	shalt  }
0x84: {  	_ =	shalt  }
0x85: {  	_ =	shalt  }
0x86: {  	_ =	shalt  }
0x87: {  	_ =	shalt  }
.Lfunc_end0:
.L_simem_size_0:
called_computation_lowered:
.L_overlay_start_0:
0x88: {  	s2 =	sld [smem:$0x3FD9]  }
0x89: {  	s3 =	sld [smem:$0x3FFE];
	_ =	sdelay $0x1  }
0x8a: {  	s1 =	srdreg.scid  }
0x8b: {  	s0 =	sand.u32 $0x1, s1  }
0x8c: {  	s17 =	sshll.u32 s0, $0xA;
	s2 =	sadd.s32 s3, s2  }
0x8d: {  	s2 =	sadd.s32 s2, s17  }
0x8e: {  	[smem:$0x3FC6] =	sst s2  }
0x8f: {  	_ = 	snop  }
0x90: {  	s2 =	sld [smem:$0x3FC9]  }
0x91: {  	s18 =	sld [smem:$0x3FC8];
	(tm) =	ssettm $0x1  }
0x92: {  	s4 =	sld [smem:$0x3FFB];
	_ =	sdelay $0x3  }
0x93: {  	_ =	strace s4  }
0x94: {  	s4 =	sld [smem:$0x3FFC];
	_ =	sdelay $0x3  }
0x95: {  	_ =	strace s4  }
0x96: {  	s4 =	sld [smem:$0x3FFD];
	_ =	sdelay $0x3  }
0x97: {  	_ =	strace s4  }
0x98: {  	_ =	strace $0x8FFFFFFF  }
0x99: {  	s19 =	sld [smem:$0x3FDB];
	_ =	sdelay $0x1  }
0x9a: {  	s5 =	simm.s32 $_scs_section_size  }
0x9b: {  	s6 =	simm.s32 $_size__tile_overlayer_lowered;
	s7 =	simm.s32 $_tile_overlayer_lowered  }
0x9c: {  	s22 =	simm.s32 $0x1BFF;
	s21 =	sshll.u32 s7, $0x1;
	s4 =	sadd.s32 s5, s19  }
0x9d: {  	s8 =	simm.s32 $0x0;
	s20 =	sshll.u32 s6, $0x1;
	s6 =	sadd.s32 s21, s4  }
0x9e: {  	[timem:s8], [sflag:s22] =	dma.local [hbm:s6], s20  }
0x9f: {  	_ =	swait.ge [sflag:s22], s20  }
0xa0: {  	s5 =	ssub.s32 $0x0, s20;
	[sflag:s22] =	ssyncset.done $0x0  }
0xa1: {  	[sflag:s22] =	ssyncadd.s32 s5;
	_ =	sdelay $0x1  }
0xa2: {  	s23 =	simm.s32 $0x1B8B  }
0xa3: {  	_ =	swait.ge [sflag:s23], $0x1  }
0xa4: {  	[sflag:s23] =	ssyncset.done $0x0  }
0xa5: {  	s25 =	simm.s32 $0x1B8E;
	s24 =	sld [smem:$0x3FFE];
	[sflag:s23] =	ssyncadd.s32 $0xFFFFFFFF  }
0xa6: {  	s26 =	simm.s32 $execute0_lowered;
	[smem:$0x3FD2] =	sst s25  }
0xa7: {  	s6 =	sshll.u32 s26, $0x1;
	_ =	strace $0x80000046;
	[dreg:$0x1] =	wrdreg $0xFFFFFFFF  }
0xa8: {  	s28 =	simm.s32 $_size_execute0_lowered;
	s4 =	sadd.s32 s4, s6;
	[dreg:$0x0] =	wrdreg $0x0  }
0xa9: {  	s6 =	sshll.u32 s28, $0x1;
	[dreg:$0x2] =	wrdreg s4  }
0xaa: {  	[dreg:$0x3] =	wrdreg s6  }
0xab: {  	[dreg:$0x4] =	wrdreg $0xC0  }
0xac: {  	_ =	task [dreg:s8], $0x5FFFF  }
0xad: {  	[dreg:$0x1] =	wrdreg $0xFFFFFFFF  }
0xae: {  	[dreg:$0x0] =	wrdreg $0x60  }
0xaf: {  	[dreg:$0x2] =	wrdreg s2  }
0xb0: {  	[dreg:$0x3] =	wrdreg s18  }
0xb1: {  	[dreg:$0x4] =	wrdreg s24  }
0xb2: {  	[dreg:$0x5] =	wrdreg $0x9  }
0xb3: {  	_ =	task.clear_ibuf [dreg:s8], $0x6FFFF;
	_ =	strace $0x90000046  }
0xb4: {  	s29 =	simm.s32 $0x9;
	_ =	strace $0x80000048  }
0xb5: {  	_ =	swait.ge [sflag:s29], $0x1  }
0xb6: {  	[sflag:s29] =	ssyncadd.s32 $0xFFFFFFFF  }
0xb7: {  	_ =	strace $0x90000048  }
0xb8: {  	_ =	sfence  }
0xb9: {  	s30 =	sld [smem:$0x0];
	_ =	sdelay $0x2  }
0xba: {  	s31 =	sshll.u32 s1, $0xD;
	s1 =	sshrl.u32 s1, $0x2  }
0xbb: {  	s3 =	sand.u32 $0x4000, s31;
	s1 =	sadd.s32 s1, s30  }
0xbc: {  	s0 =	sor.u32 s3, s0;
	s1 =	sshll.u32 s1, $0x11  }
0xbd: {  	s0 =	sor.u32 s1, s0  }
0xbe: {  	s0 =	sadd.s32 $0x8F2B, s0  }
0xbf: {  	[sflag:s0] =	ssyncadd.remote.s32 $0x1  }
0xc0: {  	_ =	sfence.sel $0xFFFF  }
0xc1: {  	[dreg:$0x0] =	wrdreg $0xFFFFFFFF;
	(pc) =	sbr.abs _section_cstart, $3  }
0xc2: {  	[dreg:$0x1] =	wrdreg $0xFFFFFFFF  }
0xc3: {  	_ =	task.clear_ibuf [dreg:s8], $0x2FFFF;
	_ =	strace $0x9FFFFFFF  }
0xc4: {  	(tm) =	ssettm $0x7FFFFFFF  }
0xc5: {  	_ =	shalt  }
tec
execute0_lowered:
.L_overlay_start_1:
0x0: {  	(tag) =	ssettag $0x1  }
0x1: {  	s0 =	srdreg.scid;
	s9 =	rddreg [dreg:$0x0]  }
0x2: {  	s5 =	stileid.u32;
	s10 =	rddreg [dreg:$0x1]  }
0x3: {  	s3 =	rddreg [dreg:$0x2];
	s16 =	simm.s32 $0x4000;
	s17 =	simm.s32 $0xC000  }
0x4: {  	s18 =	simm.s32 $0x6000;
	s19 =	simm.s32 $0xE000;
	s20 =	simm.s32 $0x1  }
0x5: {  	s21 =	simm.s32 $0x2;
	s22 =	simm.s32 $0x10000;
	s23 =	simm.s32 $0x3  }
0x6: {  	s24 =	simm.s32 $0x4;
	s25 =	simm.s32 $0x5;
	s28 =	simm.s32 $0x7  }
0x7: {  	s29 =	simm.s32 $0x8;
	s30 =	simm.s32 $0x80;
	s0 =	sand.u32 $0x1, s0  }
0x8: {  	s31 =	simm.s32 $0x400;
	s1 =	sshll.u32 s0, $0x4;
	s0 =	ssub.s32 $0x2, s0  }
0x9: {  	s1 =	sor.u32 s5, s1;
	s5 =	sshll.u32 s5, $0x7;
	s26 =	sshrl.u32 s0, $0x1  }
0xa: {  	s2 =	sshrl.u32 s1, $0x3;
	s5 =	sand.u32 $0x380, s5;
	s0 =	ssub.s32 s0, s26  }
0xb: {  	s1 =	sshll.u32 s1, $0xC;
	s26 =	simm.s32 $0x6;
	s4 =	smul.u32 $0x1400, s2  }
0xc: {  	s2 =	simm.s32 $0x0;
	s6 =	sor.u32 $0x400, s1;
	s8 =	sor.u32 $0x800, s1  }
0xd: {  	s12 =	smax.u32 s0, $0x1;
	s0 =	simm.s32 $0x0;
	s4 =	sor.u32 s5, s4  }
0xe: {  	[smem:$0x7FF] =	sst s2;
	s7 =	sadd.s32 s9, s8;
	s4 =	sshrl.u32 s4, $0x3  }
0xf: {  	s8 =	sadd.s32 s10, s8;
	_ =	strace $0x80000047;
	s11 =	sadd.s32 s4, s3  }
0x10: {  	s3 =	sadd.s32 s9, s1;
	s4 =	sadd.s32 s10, s1;
	s1 =	sor.u32 $0xC00, s1  }
0x11: {  	v0 =	vlaneseq.u32;
	s5 =	sadd.s32 s9, s6;
	s6 =	sadd.s32 s10, s6;
	s9 =	sadd.s32 s9, s1  }
0x12: {  	v2 =	vor.u32 $0x140, v0;
	s10 =	sadd.s32 s10, s1;
	s11 =	sadd.s32 $0x600, s11;
	s1 =	simm.s32 $0x9  }
.LBB2_1:
0x13: {  	[tilespmem:s2], [sflag:$0x1] =	stream.linear.gather [hbm4b:s3+s2], $0x2000, $0x38;
	[tilespmem:$0x10280] =	vst v63  }
0x14: {  	s13 =	simm.s32 $0x8000  }
0x15: {  	v1 =	vimm.f32 $0.0e+00;
	[tilespmem:s13], [sflag:$0x2] =	stream.linear.gather [hbm4b:s4+s2], $0x2000, $0x38;
	[tilespmem:$0x10280] =	vst v63  }
0x16: {  	[tilespmem:$0x10000] =	vst v1  }
0x17: {  	[tilespmem:$0x10010] =	vst v1  }
0x18: {  	[tilespmem:$0x10020] =	vst v1  }
0x19: {  	[tilespmem:$0x10030] =	vst v1  }
0x1a: {  	[tilespmem:$0x10040] =	vst v1  }
0x1b: {  	[tilespmem:$0x10050] =	vst v1  }
0x1c: {  	[tilespmem:$0x10060] =	vst v1  }
0x1d: {  	[tilespmem:$0x10070] =	vst v1  }
0x1e: {  	[tilespmem:$0x10080] =	vst v1  }
0x1f: {  	[tilespmem:$0x10090] =	vst v1  }
0x20: {  	[tilespmem:$0x100A0] =	vst v1  }
0x21: {  	[tilespmem:$0x100B0] =	vst v1  }
0x22: {  	[tilespmem:$0x100C0] =	vst v1  }
0x23: {  	[tilespmem:$0x100D0] =	vst v1  }
0x24: {  	[tilespmem:$0x100E0] =	vst v1  }
0x25: {  	[tilespmem:$0x100F0] =	vst v1  }
0x26: {  	[tilespmem:$0x10100] =	vst v1  }
0x27: {  	[tilespmem:$0x10110] =	vst v1  }
0x28: {  	[tilespmem:$0x10120] =	vst v1  }
0x29: {  	[tilespmem:$0x10130] =	vst v1  }
0x2a: {  	[tilespmem:$0x10140] =	vst v1  }
0x2b: {  	[tilespmem:$0x10150] =	vst v1  }
0x2c: {  	[tilespmem:$0x10160] =	vst v1  }
0x2d: {  	[tilespmem:$0x10170] =	vst v1  }
0x2e: {  	[tilespmem:$0x10180] =	vst v1  }
0x2f: {  	[tilespmem:$0x10190] =	vst v1  }
0x30: {  	[tilespmem:$0x101A0] =	vst v1  }
0x31: {  	[tilespmem:$0x101B0] =	vst v1  }
0x32: {  	[tilespmem:$0x101C0] =	vst v1  }
0x33: {  	[tilespmem:$0x101D0] =	vst v1  }
0x34: {  	[tilespmem:$0x101E0] =	vst v1  }
0x35: {  	[tilespmem:$0x101F0] =	vst v1  }
0x36: {  	[tilespmem:$0x10200] =	vst v1  }
0x37: {  	[tilespmem:$0x10210] =	vst v1  }
0x38: {  	[tilespmem:$0x10220] =	vst v1  }
0x39: {  	[tilespmem:$0x10230] =	vst v1  }
0x3a: {  	[tilespmem:$0x10240] =	vst v1  }
0x3b: {  	[tilespmem:$0x10250] =	vst v1  }
0x3c: {  	[tilespmem:$0x10260] =	vst v1  }
0x3d: {  	s15 =	simm.s32 $0x2000;
	[tilespmem:$0x10270] =	vst v1  }
0x3e: {  	[tilespmem:s15], [sflag:$0x3] =	stream.linear.gather [hbm4b:s5+s2], $0x2000, $0x38;
	[tilespmem:$0x10280] =	vst v63  }
0x3f: {  	s14 =	simm.s32 $0xA000  }
0x40: {  	[tilespmem:s14], [sflag:$0x4] =	stream.linear.gather [hbm4b:s6+s2], $0x2000, $0x38;
	[tilespmem:$0x10280] =	vst v63  }
0x41: {  	_ = 	snop  }
0x42: {  	[tilespmem:s16], [sflag:$0x5] =	stream.linear.gather [hbm4b:s7+s2], $0x2000, $0x38;
	[tilespmem:$0x10280] =	vst v63  }
0x43: {  	_ = 	snop  }
0x44: {  	[tilespmem:s17], [sflag:$0x6] =	stream.linear.gather [hbm4b:s8+s2], $0x2000, $0x38;
	[tilespmem:$0x10280] =	vst v63  }
0x45: {  	_ = 	snop  }
0x46: {  	[tilespmem:s18], [sflag:$0x7] =	stream.linear.gather [hbm4b:s9+s2], $0x2000, $0x38;
	[tilespmem:$0x10280] =	vst v63  }
0x47: {  	_ = 	snop  }
0x48: {  	[tilespmem:s19], [sflag:$0x8] =	stream.linear.gather [hbm4b:s10+s2], $0x2000, $0x38;
	[tilespmem:$0x10280] =	vst v63  }
0x49: {  	_ =	swait.ge [sflag:s20], $0x2000  }
0x4a: {  	[sflag:s20] =	ssyncset.done $0x0  }
0x4b: {  	[sflag:s20] =	ssyncadd.s32 $0xFFFFE000  }
0x4c: {  	_ =	swait.ge [sflag:s21], $0x2000  }
0x4d: {  	[sflag:s21] =	ssyncset.done $0x0  }
0x4e: {  	[sflag:s21] =	ssyncadd.s32 $0xFFFFE000  }
0x4f: {  	v12 =	vld [tilespmem:s30+$0x70]  }
0x50: {  	v16 =	vld [tilespmem:s30+$0xFFFFFF80]  }
0x51: {  	v26 =	vld [tilespmem:s30+$0x60]  }
0x52: {  	v50 =	vld [tilespmem:s30+$0x50]  }
0x53: {  	v48 =	vld [tilespmem:s30+$0x40]  }
0x54: {  	v49 =	vld [tilespmem:s30+$0x30]  }
0x55: {  	v58 =	vld [tilespmem:s30+$0x10]  }
0x56: {  	v47 =	vld [tilespmem:s30+$0x0]  }
0x57: {  	v14 =	vld [tilespmem:s30+$0xFFFFFFF0];
	v3 =	vadd.f32 $-5.000000000e-01, v12  }
0x58: {  	v55 =	vld [tilespmem:s30+$0xFFFFFFE0];
	v4 =	vadd.f32 $-5.000000000e-01, v16;
	v10 =	vadd.f32 $-5.000000000e-01, v26  }
0x59: {  	v13 =	vadd.f32 $-5.000000000e-01, v50;
	v15 =	vadd.f32 $-5.000000000e-01, v48  }
0x5a: {  	v62 =	vld [tilespmem:s30+$0x20];
	v17 =	vadd.f32 $-5.000000000e-01, v49;
	v25 =	vadd.f32 $-5.000000000e-01, v58  }
0x5b: {  	v28 =	vadd.f32 $-5.000000000e-01, v47;
	v3 =	vmul.f32 $4.000000000e+01, v3;
	v4 =	vmul.f32 $4.000000000e+01, v4  }
0x5c: {  	v31 =	vadd.f32 $-5.000000000e-01, v14;
	v10 =	vmul.f32 $4.000000000e+01, v10;
	v23 =	vmul.f32 $4.000000000e+01, v13  }
0x5d: {  	v54 =	vld [tilespmem:s30+$0xFFFFFFD0];
	v34 =	vadd.f32 $-5.000000000e-01, v55;
	v24 =	vmul.f32 $4.000000000e+01, v15;
	v1 =	vmul.f32 $4.000000000e+01, v17  }
0x5e: {  	vm3 =	vgt.f32 v16, $5.000000000e-01;
	v25 =	vmul.f32 $4.000000000e+01, v25;
	v35 =	vmul.f32 $4.000000000e+01, v28  }
0x5f: {  	v13 =	vadd.f32 $-5.000000000e-01, v62;
	v37 =	vmul.f32 $4.000000000e+01, v34;
	v31 =	vmul.f32 $4.000000000e+01, v31  }
0x60: {  	vm4 =	vgt.f32 v12, $5.000000000e-01;
	v3 =	vtrunc.f32 v3;
	v4 =	vtrunc.f32 v4  }
0x61: {  	s15 =	simm.s32 $0x8080;
	vm2 =	vgt.f32 v58, $5.000000000e-01;
	v15 =	vtrunc.f32 v10;
	v29 =	vmul.f32 $4.000000000e+01, v13  }
0x62: {  	v18 =	vld [tilespmem:s15+$0xFFFFFF80];
	v33 =	vadd.f32 $-5.000000000e-01, v54;
	v25 =	vtrunc.f32 v25;
	v23 =	vtrunc.f32 v23  }
0x63: {  	v32 =	vld [tilespmem:s15+$0x70];
	vm5 =	vgt.f32 v55, $5.000000000e-01;
	v60 =	vtrunc.f32 v35;
	v5 =	vcvt.f32.s32 v3  }
0x64: {  	vm9 =	vgt.f32 v26, $5.000000000e-01;
	v17 =	vld [tilespmem:s30+$0xFFFFFFA0];
	v31 =	vtrunc.f32 v31;
	v7 =	vcvt.f32.s32 v4  }
0x65: {  	v51 =	vld [tilespmem:s15+$0x0];
	v37 =	vtrunc.f32 v37;
	v27 =	vcvt.f32.s32 v15;
	vm0 =	vgt.s32 v5, $0x0  }
0x66: {  	v10 =	vld [tilespmem:s30+$0xFFFFFFC0];
	v28 =	vcvt.f32.s32 v23;
	vm1 =	vgt.s32 v7, $0x0;
	v5 =	vnsel vm0, $0x0, v5  }
0x67: {  	v13 =	vld [tilespmem:s30+$0xFFFFFFB0];
	v44 =	vcvt.f32.s32 v60;
	v7 =	vnsel vm1, $0x0, v7;
	v5 =	vmin.u32 v5, $0x13  }
0x68: {  	v15 =	vld [tilespmem:s30+$0xFFFFFF90];
	v31 =	vcvt.f32.s32 v31;
	v7 =	vmin.u32 v7, $0x13;
	v9 =	vshll.u32 v5, $0x4  }
0x69: {  	v52 =	vld [tilespmem:s15+$0x40];
	vm6 =	vgt.f32 v17, $5.000000000e-01;
	v7 =	vshll.u32 v7, $0x4;
	v19 =	vor.u32 v0, v9  }
0x6a: {  	v53 =	vld [tilespmem:s15+$0x30];
	vm10 =	vgt.s32 v44, $0x0;
	vm0 =	vgt.s32 v27, $0x0;
	v21 =	vor.u32 v0, v7  }
0x6b: {  	v45 =	vld [tilespmem:s15+$0x60];
	v27 =	vnsel vm0, $0x0, v27;
	vm1 =	vgt.f32 v10, $5.000000000e-01;
	v22 =	vadd.s32 v2, v7  }
0x6c: {  	v34 =	vld [tilespmem:s15+$0xFFFFFFF0];
	vm0 =	vgt.f32 v54, $5.000000000e-01;
	v39 =	vadd.f32 $-5.000000000e-01, v13;
	v27 =	vmin.u32 v27, $0x13  }
0x6d: {  	v4 =	vld [tilespmem:s15+$0xFFFFFFC0];
	vm7 =	vgt.f32 v15, $5.000000000e-01;
	v20 =	vadd.s32 v2, v9;
	v61 =	vshll.u32 v27, $0x4  }
0x6e: {  	v43 =	vmul.f32 $4.000000000e+01, v39;
	v41 =	vor.u32 v0, v61;
	[tilespmem:v19+s22+$0x0] =	vst.idx.add.f32.msk vm4, v12;
	v12 =	vcvt.f32.s32 v25  }
0x6f: {  	[tilespmem:v21+s22+$0x0] =	vst.idx.add.f32.msk vm3, v16;
	v25 =	vadd.f32 $-5.000000000e-01, v10;
	v16 =	vtrunc.f32 v29;
	v19 =	vadd.f32 $-5.000000000e-01, v15  }
0x70: {  	v21 =	vtrunc.f32 v24;
	v29 =	vtrunc.f32 v1;
	[tilespmem:v22+s22+$0x0] =	vst.idx.add.f32.msk vm3, v18;
	v18 =	vadd.f32 $-5.000000000e-01, v17  }
0x71: {  	v7 =	vld [tilespmem:s15+$0xFFFFFFE0];
	v46 =	vadd.s32 v2, v61;
	v24 =	vcvt.f32.s32 v21;
	v21 =	vmul.f32 $4.000000000e+01, v19  }
0x72: {  	[tilespmem:v20+s22+$0x0] =	vst.idx.add.f32.msk vm4, v32;
	vm3 =	vgt.s32 v12, $0x0;
	v25 =	vmul.f32 $4.000000000e+01, v25;
	v20 =	vmul.f32 $4.000000000e+01, v18  }
0x73: {  	v9 =	vld [tilespmem:s15+$0x50];
	v1 =	vcvt.f32.s32 v16;
	v22 =	vnsel vm3, $0x0, v12;
	v59 =	vtrunc.f32 v21  }
0x74: {  	v39 =	vld [tilespmem:s15+$0xFFFFFFA0];
	v36 =	vmin.u32 v22, $0x13;
	v22 =	vtrunc.f32 v25;
	v20 =	vtrunc.f32 v20  }
0x75: {  	v32 =	vld [tilespmem:s15+$0xFFFFFF90];
	vm8 =	vgt.s32 v1, $0x0;
	v42 =	vcvt.f32.s32 v59;
	v20 =	vcvt.f32.s32 v20  }
0x76: {  	vm4 =	vgt.f32 v50, $5.000000000e-01;
	[tilespmem:v41+s22+$0x0] =	vst.idx.add.f32.msk vm9, v26;
	v1 =	vnsel vm8, $0x0, v1;
	v40 =	vcvt.f32.s32 v22  }
0x77: {  	v19 =	vld [tilespmem:s15+$0xFFFFFFD0];
	v41 =	vmin.u32 v1, $0x13;
	vm11 =	vgt.s32 v42, $0x0;
	vm3 =	vgt.s32 v20, $0x0  }
0x78: {  	[tilespmem:v46+s22+$0x0] =	vst.idx.add.f32.msk vm9, v45;
	vm8 =	vgt.s32 v40, $0x0;
	v42 =	vnsel vm11, $0x0, v42;
	v27 =	vnsel vm3, $0x0, v20  }
0x79: {  	v21 =	vld [tilespmem:s15+$0x20];
	vm3 =	vgt.f32 v13, $5.000000000e-01;
	v26 =	vmin.u32 v42, $0x13;
	v38 =	vmin.u32 v27, $0x13  }
0x7a: {  	v20 =	vld [tilespmem:s15+$0xFFFFFFB0];
	v42 =	vshll.u32 v26, $0x4;
	v26 =	vcvt.f32.s32 v37;
	v63 =	vshll.u32 v38, $0x4  }
0x7b: {  	s13 =	simm.s32 $0x0;
	s14 =	simm.s32 $0x8180;
	v27 =	vld [tilespmem:s15+$0x10];
	v37 =	vnsel vm10, $0x0, v44;
	s15 =	simm.s32 $0x80;
	v38 =	vor.u32 v0, v63;
	v35 =	vadd.s32 v2, v63  }
.LBB2_2:
0x7c: {  	v1 =	vld [tilespmem:s14+$0xFFFFFF80];
	s15 =	sadd.s32 $0x100, s15  }
0x7d: {  	v44 =	vld [tilespmem:s15+$0xFFFFFFB0]  }
0x7e: {  	v46 =	vld [tilespmem:s15+$0xFFFFFF90]  }
0x7f: {  	v45 =	vshll.u32 v41, $0x4;
	vm10 =	vgt.s32 v28, $0x0;
	v6 =	vmov v47;
	v47 =	vld [tilespmem:s15+$0xFFFFFFA0]  }
0x80: {  	v36 =	vshll.u32 v36, $0x4;
	v43 =	vtrunc.f32 v43;
	v33 =	vmul.f32 $4.000000000e+01, v33;
	v41 =	vld [tilespmem:s15+$0xFFFFFFC0]  }
0x81: {  	vm9 =	vgt.s32 v31, $0x0;
	vm11 =	vgt.s32 v26, $0x0;
	v25 =	vor.u32 v0, v36;
	[tilespmem:v38+s22+$0x0] =	vst.idx.add.f32.msk vm6, v17  }
0x82: {  	v59 =	vadd.s32 v2, v36;
	v28 =	vnsel vm10, $0x0, v28;
	v3 =	vld [tilespmem:s15+$0x40];
	v31 =	vnsel vm9, $0x0, v31;
	[tilespmem:$0x1FFA0] =	vst v20  }
0x83: {  	v5 =	vld [tilespmem:s15+$0xFFFFFFD0];
	v43 =	vcvt.f32.s32 v43;
	vm9 =	vgt.f32 v14, $5.000000000e-01;
	v31 =	vmin.u32 v31, $0x13;
	[tilespmem:$0x1FFD0] =	vst v51  }
0x84: {  	v61 =	vnsel vm11, $0x0, v26;
	v26 =	vld [tilespmem:s15+$0x60];
	v33 =	vtrunc.f32 v33;
	[tilespmem:$0x1FFC0] =	vst v19;
	v60 =	vshll.u32 v31, $0x4  }
0x85: {  	v19 =	vmovc v49;
	v49 =	vor.u32 v0, v42;
	vm12 =	vgt.s32 v43, $0x0;
	v20 =	vmovc v50;
	v42 =	vadd.s32 v2, v42;
	v51 =	vld [tilespmem:s15+$0xFFFFFFE0]  }
0x86: {  	[tilespmem:$0x1FFB0] =	vst v52;
	v52 =	vcvt.f32.s32 v33;
	v33 =	vmin.u32 v61, $0x13;
	v8 =	vmovc v21;
	v21 =	vmovc v54;
	v54 =	vld [tilespmem:s15+$0xFFFFFFF0];
	v50 =	vadd.s32 v2, v60  }
0x87: {  	v22 =	vmovc v4;
	v4 =	vmovc v48;
	v61 =	vld [tilespmem:s15+$0x30];
	v43 =	vnsel vm12, $0x0, v43;
	v48 =	vor.u32 v0, v60;
	v33 =	vshll.u32 v33, $0x4  }
0x88: {  	[tilespmem:v35+s22+$0x0] =	vst.idx.add.f32.msk vm6, v39;
	v43 =	vmin.u32 v43, $0x13;
	v31 =	vmovc v53;
	v53 =	vnsel vm8, $0x0, v40;
	v56 =	vor.u32 v0, v33  }
0x89: {  	[tilespmem:$0x1FFE0] =	vst v1;
	v1 =	vld [tilespmem:s14+$0x70];
	v57 =	vadd.s32 v2, v33;
	vm8 =	vgt.f32 v62, $5.000000000e-01;
	vm11 =	vgt.s32 v52, $0x0  }
0x8a: {  	v60 =	vld [tilespmem:s15+$0x20];
	v36 =	vmin.u32 v53, $0x13;
	v53 =	vcvt.f32.s32 v29;
	v29 =	vnsel vm11, $0x0, v52  }
0x8b: {  	v23 =	vmovc v62;
	v33 =	vld [tilespmem:s15+$0x0];
	v43 =	vshll.u32 v43, $0x4;
	v62 =	vshll.u32 v36, $0x4;
	v36 =	vmin.u32 v29, $0x13  }
0x8c: {  	v11 =	vmovc v10;
	v10 =	vmovc v55;
	v52 =	vld [tilespmem:s15+$0x10];
	v55 =	vor.u32 v0, v43;
	v40 =	vadd.s32 v2, v43;
	v12 =	vshll.u32 v36, $0x4  }
0x8d: {  	[tilespmem:v25+s22+$0x0] =	vst.idx.add.f32.msk vm2, v58;
	v36 =	vmin.u32 v37, $0x13;
	vm10 =	vgt.s32 v53, $0x0;
	v16 =	vor.u32 v0, v12  }
0x8e: {  	v43 =	vld [tilespmem:s15+$0x50];
	v37 =	vadd.s32 v2, v12;
	v12 =	vnsel vm10, $0x0, v53;
	vm10 =	vgt.s32 v24, $0x0  }
0x8f: {  	v63 =	vadd.s32 v2, v62;
	v38 =	vor.u32 v0, v62;
	[tilespmem:v49+s22+$0x0] =	vst.idx.add.f32.msk vm7, v15;
	v62 =	vnsel vm10, $0x0, v24  }
0x90: {  	[tilespmem:v48+s22+$0x0] =	vst.idx.add.f32.msk vm9, v14;
	v48 =	vmin.u32 v62, $0x13  }
0x91: {  	[tilespmem:v42+s22+$0x0] =	vst.idx.add.f32.msk vm7, v32;
	vm7 =	vgt.f32 v4, $5.000000000e-01;
	v48 =	vshll.u32 v48, $0x4  }
0x92: {  	[tilespmem:v50+s22+$0x0] =	vst.idx.add.f32.msk vm9, v34;
	v34 =	vor.u32 v0, v48  }
0x93: {  	v29 =	vld [tilespmem:s15+$0x70]  }
0x94: {  	[tilespmem:v59+s22+$0x0] =	vst.idx.add.f32.msk vm2, v27  }
0x95: {  	v30 =	vor.u32 v0, v45;
	[tilespmem:$0x1FFF0] =	vst v1;
	v1 =	vmin.u32 v28, $0x13;
	v28 =	vld [tilespmem:s15+$0xFFFFFF80]  }
0x96: {  	[tilespmem:v56+s22+$0x0] =	vst.idx.add.f32.msk vm5, v10  }
0x97: {  	[tilespmem:v34+s22+$0x0] =	vst.idx.add.f32.msk vm7, v4  }
0x98: {  	v17 =	vmov v47;
	v47 =	vadd.s32 v2, v48;
	v4 =	vld [tilespmem:$0x1FFB0]  }
0x99: {  	v32 =	vld [tilespmem:s14+$0xFFFFFF90]  }
0x9a: {  	v36 =	vshll.u32 v36, $0x4;
	[tilespmem:v30+s22+$0x0] =	vst.idx.add.f32.msk vm8, v23;
	v24 =	vadd.f32 $-5.000000000e-01, v29;
	v49 =	vadd.f32 $-5.000000000e-01, v28  }
0x9b: {  	v45 =	vadd.s32 v2, v45;
	v1 =	vshll.u32 v1, $0x4;
	v18 =	vor.u32 v0, v36;
	[tilespmem:v57+s22+$0x0] =	vst.idx.add.f32.msk vm5, v7  }
0x9c: {  	v14 =	vmovc v54;
	v36 =	vadd.s32 v2, v36;
	v7 =	vld [tilespmem:$0x1FFA0];
	v24 =	vmul.f32 $4.000000000e+01, v24;
	v54 =	vmul.f32 $4.000000000e+01, v49  }
0x9d: {  	v53 =	vadd.s32 v2, v1;
	v1 =	vor.u32 v0, v1;
	[tilespmem:v47+s22+$0x0] =	vst.idx.add.f32.msk vm7, v4  }
0x9e: {  	v12 =	vmin.u32 v12, $0x13;
	v24 =	vtrunc.f32 v24;
	v30 =	vtrunc.f32 v54;
	v4 =	vld [tilespmem:$0x1FFC0]  }
0x9f: {  	v12 =	vshll.u32 v12, $0x4;
	[tilespmem:v55+s22+$0x0] =	vst.idx.add.f32.msk vm3, v13;
	v24 =	vcvt.f32.s32 v24;
	v30 =	vcvt.f32.s32 v30  }
0xa0: {  	v27 =	vadd.f32 $-5.000000000e-01, v14;
	vm9 =	vgt.f32 v26, $5.000000000e-01;
	v39 =	vor.u32 v0, v12;
	v50 =	vmovc v43;
	[tilespmem:v45+s22+$0x0] =	vst.idx.add.f32.msk vm8, v8  }
0xa1: {  	[tilespmem:v16+s22+$0x0] =	vst.idx.add.f32.msk vm0, v21;
	v16 =	vadd.f32 $-5.000000000e-01, v50;
	vm2 =	vgt.s32 v24, $0x0;
	vm6 =	vgt.s32 v30, $0x0  }
0xa2: {  	v58 =	vmovc v52;
	[tilespmem:v1+s22+$0x0] =	vst.idx.add.f32.msk vm4, v20;
	v1 =	vnsel vm2, $0x0, v24;
	v24 =	vnsel vm6, $0x0, v30;
	vm6 =	vgt.f32 v6, $5.000000000e-01  }
0xa3: {  	v12 =	vadd.s32 v2, v12;
	v21 =	vadd.f32 $-5.000000000e-01, v3;
	v48 =	vmovc v3;
	v3 =	vadd.f32 $-5.000000000e-01, v33;
	[tilespmem:v37+s22+$0x0] =	vst.idx.add.f32.msk vm0, v4  }
0xa4: {  	vm5 =	vgt.f32 v29, $5.000000000e-01;
	v16 =	vmul.f32 $4.000000000e+01, v16;
	v20 =	vadd.f32 $-5.000000000e-01, v58;
	v4 =	vld [tilespmem:$0x1FFD0]  }
0xa5: {  	v27 =	vmul.f32 $4.000000000e+01, v27;
	[tilespmem:v53+s22+$0x0] =	vst.idx.add.f32.msk vm4, v9;
	vm4 =	vgt.f32 v28, $5.000000000e-01;
	v3 =	vmul.f32 $4.000000000e+01, v3  }
0xa6: {  	[tilespmem:v38+s22+$0x0] =	vst.idx.add.f32.msk vm1, v11;
	v20 =	vmul.f32 $4.000000000e+01, v20;
	v16 =	vtrunc.f32 v16;
	vm2 =	vgt.f32 v19, $5.000000000e-01  }
0xa7: {  	[tilespmem:v63+s22+$0x0] =	vst.idx.add.f32.msk vm1, v22;
	v3 =	vtrunc.f32 v3;
	v54 =	vmovc v5;
	v5 =	vadd.f32 $-5.000000000e-01, v26;
	v24 =	vmin.u32 v24, $0x13  }
0xa8: {  	v20 =	vtrunc.f32 v20;
	v3 =	vcvt.f32.s32 v3;
	v23 =	vshll.u32 v24, $0x4;
	[tilespmem:v18+s22+$0x0] =	vst.idx.add.f32.msk vm6, v6  }
0xa9: {  	v1 =	vmin.u32 v1, $0x13;
	v20 =	vcvt.f32.s32 v20;
	v25 =	vor.u32 v0, v23;
	[tilespmem:v36+s22+$0x0] =	vst.idx.add.f32.msk vm6, v4  }
0xaa: {  	v13 =	vmovc v44;
	v1 =	vshll.u32 v1, $0x4;
	v5 =	vmul.f32 $4.000000000e+01, v5;
	v22 =	vadd.s32 v2, v23;
	v4 =	vld [tilespmem:$0x1FFE0]  }
0xab: {  	v15 =	vmovc v46;
	[tilespmem:v40+s22+$0x0] =	vst.idx.add.f32.msk vm3, v7;
	v30 =	vadd.f32 $-5.000000000e-01, v13;
	vm10 =	vgt.s32 v3, $0x0;
	v47 =	vmovc v33;
	v33 =	vadd.f32 $-5.000000000e-01, v54  }
0xac: {  	vm3 =	vgt.s32 v20, $0x0;
	vm7 =	vgt.f32 v15, $5.000000000e-01;
	v24 =	vor.u32 v0, v1;
	[tilespmem:v39+s22+$0x0] =	vst.idx.add.f32.msk vm2, v19  }
0xad: {  	v49 =	vmovc v61;
	v1 =	vadd.s32 v2, v1;
	v5 =	vtrunc.f32 v5;
	v20 =	vnsel vm3, $0x0, v20;
	[tilespmem:v12+s22+$0x0] =	vst.idx.add.f32.msk vm2, v31  }
0xae: {  	v62 =	vmovc v60;
	v43 =	vmul.f32 $4.000000000e+01, v30;
	v23 =	vadd.f32 $-5.000000000e-01, v49;
	v5 =	vcvt.f32.s32 v5;
	[tilespmem:v25+s22+$0x0] =	vst.idx.add.f32.msk vm4, v28  }
0xaf: {  	v10 =	vmovc v41;
	v19 =	vmul.f32 $4.000000000e+01, v21;
	v12 =	vadd.f32 $-5.000000000e-01, v62;
	vm2 =	vgt.f32 v58, $5.000000000e-01;
	[tilespmem:v22+s22+$0x0] =	vst.idx.add.f32.msk vm4, v4  }
0xb0: {  	v55 =	vmovc v51;
	v21 =	vmul.f32 $4.000000000e+01, v23;
	vm1 =	vgt.s32 v5, $0x0;
	v23 =	vadd.f32 $-5.000000000e-01, v10;
	v4 =	vld [tilespmem:$0x1FFF0]  }
0xb1: {  	v63 =	vld [tilespmem:s14+$0x60];
	v31 =	vtrunc.f32 v27;
	v18 =	vadd.f32 $-5.000000000e-01, v55;
	v5 =	vnsel vm1, $0x0, v5  }
0xb2: {  	v7 =	vld [tilespmem:s14+$0xFFFFFFE0];
	vm1 =	vgt.f32 v10, $5.000000000e-01;
	vm0 =	vgt.f32 v54, $5.000000000e-01;
	v19 =	vtrunc.f32 v19  }
0xb3: {  	v9 =	vld [tilespmem:s14+$0x50];
	v31 =	vcvt.f32.s32 v31;
	v12 =	vmul.f32 $4.000000000e+01, v12;
	v22 =	vadd.f32 $-5.000000000e-01, v17  }
0xb4: {  	v37 =	vnsel vm10, $0x0, v3;
	[tilespmem:v24+s22+$0x0] =	vst.idx.add.f32.msk vm5, v29;
	v24 =	vcvt.f32.s32 v19;
	v29 =	vtrunc.f32 v21  }
0xb5: {  	v28 =	vcvt.f32.s32 v16;
	v16 =	vadd.f32 $-5.000000000e-01, v15;
	[tilespmem:v1+s22+$0x0] =	vst.idx.add.f32.msk vm5, v4;
	v1 =	vmul.f32 $4.000000000e+01, v22  }
0xb6: {  	v34 =	vld [tilespmem:s14+$0xFFFFFFF0];
	v5 =	vmin.u32 v5, $0x13;
	v18 =	vmul.f32 $4.000000000e+01, v18;
	v12 =	vtrunc.f32 v12  }
0xb7: {  	v52 =	vld [tilespmem:s14+$0x40];
	v5 =	vshll.u32 v5, $0x4;
	v16 =	vmul.f32 $4.000000000e+01, v16;
	v1 =	vtrunc.f32 v1  }
0xb8: {  	v39 =	vld [tilespmem:s14+$0xFFFFFFA0];
	v61 =	vor.u32 v0, v5;
	v5 =	vadd.s32 v2, v5;
	v1 =	vcvt.f32.s32 v1  }
0xb9: {  	v27 =	vld [tilespmem:s14+$0x10];
	v12 =	vcvt.f32.s32 v12;
	vm6 =	vgt.f32 v17, $5.000000000e-01;
	v16 =	vtrunc.f32 v16  }
0xba: {  	v53 =	vld [tilespmem:s14+$0x30];
	v36 =	vmin.u32 v20, $0x13;
	v16 =	vcvt.f32.s32 v16;
	vm3 =	vgt.s32 v1, $0x0  }
0xbb: {  	s13 =	sadd.s32 $0x10, s13;
	v19 =	vld [tilespmem:s14+$0xFFFFFFD0];
	vm8 =	vgt.s32 v12, $0x0;
	v22 =	vmul.f32 $4.000000000e+01, v23;
	v1 =	vnsel vm3, $0x0, v1  }
0xbc: {  	p0 =	slt.u32 s13, $0x1F0;
	v21 =	vld [tilespmem:s14+$0x20];
	vm11 =	vgt.s32 v16, $0x0;
	vm4 =	vgt.f32 v50, $5.000000000e-01;
	v1 =	vmin.u32 v1, $0x13  }
.Ltmp0:
0xbd: {  	v20 =	vld [tilespmem:s14+$0xFFFFFFB0];
	vm5 =	vgt.f32 v55, $5.000000000e-01;
	v22 =	vtrunc.f32 v22;
	v1 =	vshll.u32 v1, $0x4;
	(pc) =	sbr.rel @p0 .LBB2_2-.Ltmp0, $4  }
0xbe: {  	v51 =	vld [tilespmem:s14+$0x0];
	v40 =	vcvt.f32.s32 v22;
	vm3 =	vgt.f32 v13, $5.000000000e-01;
	v38 =	vor.u32 v0, v1  }
0xbf: {  	[tilespmem:v61+s22+$0x0] =	vst.idx.add.f32.msk vm9, v26;
	v35 =	vadd.s32 v2, v1;
	v1 =	vnsel vm8, $0x0, v12;
	v12 =	vnsel vm11, $0x0, v16  }
0xc0: {  	[tilespmem:v5+s22+$0x0] =	vst.idx.add.f32.msk vm9, v63;
	vm8 =	vgt.s32 v40, $0x0;
	v16 =	vtrunc.f32 v18;
	v12 =	vmin.u32 v12, $0x13  }
0xc1: {  	v4 =	vld [tilespmem:s14+$0xFFFFFFC0];
	s14 =	sadd.s32 $0x100, s14;
	v41 =	vmin.u32 v1, $0x13;
	v26 =	vcvt.f32.s32 v16;
	v42 =	vshll.u32 v12, $0x4  }
0xc2: {  	_ = 	snop  }
0xc3: {  	vm9 =	vgt.s32 v31, $0x0;
	v3 =	vtrunc.f32 v43;
	vm10 =	vgt.f32 v14, $5.000000000e-01  }
0xc4: {  	v5 =	vmul.f32 $4.000000000e+01, v33;
	v16 =	vshll.u32 v41, $0x4;
	v18 =	vor.u32 v0, v42  }
0xc5: {  	vm11 =	vgt.s32 v28, $0x0;
	v30 =	vadd.s32 v2, v42;
	v1 =	vnsel vm9, $0x0, v31  }
0xc6: {  	v11 =	vcvt.f32.s32 v29;
	v31 =	vshll.u32 v36, $0x4;
	v1 =	vmin.u32 v1, $0x13  }
0xc7: {  	[tilespmem:v38+s22+$0x0] =	vst.idx.add.f32.msk vm6, v17;
	vm12 =	vgt.s32 v26, $0x0;
	v17 =	vor.u32 v0, v31;
	v1 =	vshll.u32 v1, $0x4  }
0xc8: {  	v3 =	vcvt.f32.s32 v3;
	v26 =	vnsel vm12, $0x0, v26;
	v12 =	vor.u32 v0, v1  }
0xc9: {  	v5 =	vtrunc.f32 v5;
	v1 =	vadd.s32 v2, v1;
	[tilespmem:v18+s22+$0x0] =	vst.idx.add.f32.msk vm7, v15;
	v15 =	vmin.u32 v26, $0x13  }
0xca: {  	[tilespmem:v35+s22+$0x0] =	vst.idx.add.f32.msk vm6, v39;
	vm9 =	vgt.s32 v3, $0x0;
	v18 =	vadd.s32 v2, v31;
	v15 =	vshll.u32 v15, $0x4  }
0xcb: {  	v5 =	vcvt.f32.s32 v5;
	v3 =	vnsel vm9, $0x0, v3;
	[tilespmem:v30+s22+$0x0] =	vst.idx.add.f32.msk vm7, v32;
	v30 =	vor.u32 v0, v15  }
0xcc: {  	vm9 =	vgt.f32 v62, $5.000000000e-01;
	v3 =	vmin.u32 v3, $0x13;
	[tilespmem:v17+s22+$0x0] =	vst.idx.add.f32.msk vm2, v58;
	v8 =	vadd.s32 v2, v15  }
0xcd: {  	v3 =	vshll.u32 v3, $0x4;
	[tilespmem:v12+s22+$0x0] =	vst.idx.add.f32.msk vm10, v14;
	v12 =	vnsel vm11, $0x0, v28;
	v14 =	vor.u32 v0, v16  }
0xce: {  	vm6 =	vgt.s32 v5, $0x0;
	v28 =	vor.u32 v0, v3;
	v12 =	vmin.u32 v12, $0x13;
	[tilespmem:v1+s22+$0x0] =	vst.idx.add.f32.msk vm10, v34  }
0xcf: {  	v5 =	vnsel vm6, $0x0, v5;
	v15 =	vadd.s32 v2, v16;
	[tilespmem:v18+s22+$0x0] =	vst.idx.add.f32.msk vm2, v27;
	v12 =	vshll.u32 v12, $0x4  }
0xd0: {  	vm6 =	vgt.s32 v11, $0x0;
	v1 =	vnsel vm8, $0x0, v40;
	v26 =	vor.u32 v0, v12;
	[tilespmem:v30+s22+$0x0] =	vst.idx.add.f32.msk vm5, v55  }
0xd1: {  	v5 =	vmin.u32 v5, $0x13;
	v1 =	vmin.u32 v1, $0x13;
	v12 =	vadd.s32 v2, v12;
	[tilespmem:v8+s22+$0x0] =	vst.idx.add.f32.msk vm5, v7  }
0xd2: {  	v11 =	vnsel vm6, $0x0, v11;
	v3 =	vadd.s32 v2, v3;
	v1 =	vshll.u32 v1, $0x4;
	[tilespmem:v14+s22+$0x0] =	vst.idx.add.f32.msk vm9, v62  }
0xd3: {  	vm6 =	vgt.f32 v49, $5.000000000e-01;
	v5 =	vshll.u32 v5, $0x4;
	[tilespmem:v28+s22+$0x0] =	vst.idx.add.f32.msk vm3, v13;
	v13 =	vor.u32 v0, v1  }
0xd4: {  	v6 =	vmin.u32 v11, $0x13;
	vm2 =	vgt.s32 v24, $0x0;
	v1 =	vadd.s32 v2, v1;
	[tilespmem:v15+s22+$0x0] =	vst.idx.add.f32.msk vm9, v21  }
0xd5: {  	v6 =	vshll.u32 v6, $0x4;
	v11 =	vnsel vm2, $0x0, v24;
	v14 =	vor.u32 v0, v5;
	[tilespmem:v26+s22+$0x0] =	vst.idx.add.f32.msk vm4, v50  }
0xd6: {  	v8 =	vmin.u32 v11, $0x13;
	[tilespmem:v12+s22+$0x0] =	vst.idx.add.f32.msk vm4, v9;
	v12 =	vor.u32 v0, v6  }
0xd7: {  	vm2 =	vgt.f32 v48, $5.000000000e-01;
	v8 =	vshll.u32 v8, $0x4;
	[tilespmem:v3+s22+$0x0] =	vst.idx.add.f32.msk vm3, v20;
	v6 =	vadd.s32 v2, v6  }
0xd8: {  	v7 =	vmin.u32 v37, $0x13;
	[tilespmem:v13+s22+$0x0] =	vst.idx.add.f32.msk vm1, v10;
	v10 =	vor.u32 v0, v8  }
0xd9: {  	[tilespmem:v1+s22+$0x0] =	vst.idx.add.f32.msk vm1, v4;
	v1 =	vshll.u32 v7, $0x4;
	v7 =	vadd.s32 v2, v8  }
0xda: {  	[tilespmem:v14+s22+$0x0] =	vst.idx.add.f32.msk vm0, v54;
	vm1 =	vgt.f32 v47, $5.000000000e-01;
	v4 =	vadd.s32 v2, v5  }
0xdb: {  	v8 =	vor.u32 v0, v1;
	[tilespmem:v12+s22+$0x0] =	vst.idx.add.f32.msk vm6, v49  }
0xdc: {  	v1 =	vadd.s32 v2, v1;
	[tilespmem:v6+s22+$0x0] =	vst.idx.add.f32.msk vm6, v53  }
0xdd: {  	[tilespmem:v10+s22+$0x0] =	vst.idx.add.f32.msk vm2, v48  }
0xde: {  	[tilespmem:v7+s22+$0x0] =	vst.idx.add.f32.msk vm2, v52  }
0xdf: {  	[tilespmem:v4+s22+$0x0] =	vst.idx.add.f32.msk vm0, v19  }
0xe0: {  	[tilespmem:v8+s22+$0x0] =	vst.idx.add.f32.msk vm1, v47  }
0xe1: {  	[tilespmem:v1+s22+$0x0] =	vst.idx.add.f32.msk vm1, v51  }
0xe2: {  	_ =	swait.ge [sflag:s23], $0x2000  }
0xe3: {  	[sflag:s23] =	ssyncset.done $0x0  }
0xe4: {  	[sflag:s23] =	ssyncadd.s32 $0xFFFFE000  }
0xe5: {  	_ =	swait.ge [sflag:s24], $0x2000  }
0xe6: {  	[sflag:s24] =	ssyncset.done $0x0  }
0xe7: {  	s13 =	simm.s32 $0x20F0;
	[sflag:s24] =	ssyncadd.s32 $0xFFFFE000  }
0xe8: {  	v1 =	vld [tilespmem:s13+$0x0]  }
0xe9: {  	v12 =	vld [tilespmem:s13+$0xFFFFFF10]  }
0xea: {  	v26 =	vld [tilespmem:s13+$0xFFFFFFF0]  }
0xeb: {  	v51 =	vld [tilespmem:s13+$0xFFFFFFE0]  }
0xec: {  	v47 =	vld [tilespmem:s13+$0xFFFFFFD0]  }
0xed: {  	v48 =	vld [tilespmem:s13+$0xFFFFFFC0]  }
0xee: {  	v57 =	vld [tilespmem:s13+$0xFFFFFFA0]  }
0xef: {  	v49 =	vld [tilespmem:s13+$0xFFFFFF90]  }
0xf0: {  	v14 =	vld [tilespmem:s13+$0xFFFFFF80];
	v3 =	vadd.f32 $-5.000000000e-01, v1  }
0xf1: {  	v55 =	vld [tilespmem:s13+$0xFFFFFF70];
	v4 =	vadd.f32 $-5.000000000e-01, v12;
	vm3 =	vgt.f32 v12, $5.000000000e-01;
	v10 =	vadd.f32 $-5.000000000e-01, v26  }
0xf2: {  	v54 =	vld [tilespmem:s13+$0xFFFFFF60];
	v13 =	vadd.f32 $-5.000000000e-01, v51;
	v15 =	vadd.f32 $-5.000000000e-01, v47;
	vm4 =	vgt.f32 v1, $5.000000000e-01  }
0xf3: {  	v17 =	vadd.f32 $-5.000000000e-01, v48;
	v24 =	vadd.f32 $-5.000000000e-01, v57;
	vm2 =	vgt.f32 v57, $5.000000000e-01  }
0xf4: {  	v63 =	vld [tilespmem:s13+$0xFFFFFFB0];
	v27 =	vadd.f32 $-5.000000000e-01, v49;
	v3 =	vmul.f32 $4.000000000e+01, v3;
	v4 =	vmul.f32 $4.000000000e+01, v4  }
0xf5: {  	v44 =	vadd.f32 $-5.000000000e-01, v14;
	v10 =	vmul.f32 $4.000000000e+01, v10;
	v22 =	vmul.f32 $4.000000000e+01, v13  }
0xf6: {  	v45 =	vadd.f32 $-5.000000000e-01, v55;
	v23 =	vmul.f32 $4.000000000e+01, v15;
	v29 =	vmul.f32 $4.000000000e+01, v17  }
0xf7: {  	v33 =	vadd.f32 $-5.000000000e-01, v54;
	v24 =	vmul.f32 $4.000000000e+01, v24;
	v27 =	vmul.f32 $4.000000000e+01, v27  }
0xf8: {  	vm5 =	vgt.f32 v55, $5.000000000e-01;
	v37 =	vmul.f32 $4.000000000e+01, v45;
	v3 =	vtrunc.f32 v3  }
0xf9: {  	s14 =	simm.s32 $0xA0F0;
	v13 =	vadd.f32 $-5.000000000e-01, v63;
	v4 =	vtrunc.f32 v4;
	v5 =	vcvt.f32.s32 v3  }
0xfa: {  	v16 =	vld [tilespmem:s14+$0xFFFFFF10];
	vm9 =	vgt.f32 v26, $5.000000000e-01;
	v15 =	vtrunc.f32 v10;
	v7 =	vcvt.f32.s32 v4  }
0xfb: {  	v31 =	vld [tilespmem:s14+$0x0];
	v28 =	vmul.f32 $4.000000000e+01, v13;
	v24 =	vtrunc.f32 v24;
	vm0 =	vgt.s32 v5, $0x0  }
0xfc: {  	v17 =	vld [tilespmem:s13+$0xFFFFFF30];
	v22 =	vtrunc.f32 v22;
	vm1 =	vgt.s32 v7, $0x0;
	v5 =	vnsel vm0, $0x0, v5  }
0xfd: {  	v50 =	vld [tilespmem:s14+$0xFFFFFF90];
	v29 =	vtrunc.f32 v29;
	v7 =	vnsel vm1, $0x0, v7;
	v5 =	vmin.u32 v5, $0x13  }
0xfe: {  	v10 =	vld [tilespmem:s13+$0xFFFFFF50];
	v27 =	vtrunc.f32 v27;
	v7 =	vmin.u32 v7, $0x13;
	v9 =	vshll.u32 v5, $0x4  }
0xff: {  	v25 =	vcvt.f32.s32 v15;
	v15 =	vld [tilespmem:s13+$0xFFFFFF20];
	v7 =	vshll.u32 v7, $0x4;
	v18 =	vor.u32 v0, v9  }
0x100: {  	v52 =	vld [tilespmem:s14+$0xFFFFFFD0];
	v46 =	vtrunc.f32 v28;
	v28 =	vcvt.f32.s32 v22;
	v20 =	vor.u32 v0, v7  }
0x101: {  	v53 =	vld [tilespmem:s14+$0xFFFFFFC0];
	vm6 =	vgt.f32 v17, $5.000000000e-01;
	vm0 =	vgt.s32 v25, $0x0;
	v21 =	vadd.s32 v2, v7  }
0x102: {  	v58 =	vcvt.f32.s32 v46;
	v25 =	vnsel vm0, $0x0, v25;
	v19 =	vadd.s32 v2, v9;
	v9 =	vld [tilespmem:s13+$0xFFFFFF40]  }
0x103: {  	v34 =	vld [tilespmem:s14+$0xFFFFFF80];
	vm1 =	vgt.f32 v10, $5.000000000e-01;
	vm0 =	vgt.f32 v54, $5.000000000e-01;
	v22 =	vmin.u32 v25, $0x13  }
0x104: {  	vm8 =	vgt.s32 v58, $0x0;
	vm7 =	vgt.f32 v15, $5.000000000e-01;
	v60 =	vshll.u32 v22, $0x4;
	[tilespmem:v18+s22+$0x0] =	vst.idx.add.f32.msk vm4, v1  }
0x105: {  	v46 =	vadd.s32 v2, v60;
	v1 =	vcvt.f32.s32 v24;
	[tilespmem:v20+s22+$0x0] =	vst.idx.add.f32.msk vm3, v12;
	v12 =	vadd.f32 $-5.000000000e-01, v17  }
0x106: {  	v20 =	vadd.f32 $-5.000000000e-01, v10;
	v18 =	vtrunc.f32 v23;
	[tilespmem:v21+s22+$0x0] =	vst.idx.add.f32.msk vm3, v16;
	v16 =	vadd.f32 $-5.000000000e-01, v15  }
0x107: {  	v56 =	vadd.f32 $-5.000000000e-01, v9;
	[tilespmem:v19+s22+$0x0] =	vst.idx.add.f32.msk vm4, v31;
	v24 =	vcvt.f32.s32 v18;
	v19 =	vmul.f32 $4.000000000e+01, v12  }
0x108: {  	v39 =	vld [tilespmem:s14+$0xFFFFFF30];
	vm3 =	vgt.s32 v1, $0x0;
	v20 =	vmul.f32 $4.000000000e+01, v20;
	v16 =	vmul.f32 $4.000000000e+01, v16  }
0x109: {  	v45 =	vld [tilespmem:s14+$0xFFFFFFF0];
	v12 =	vmul.f32 $4.000000000e+01, v44;
	v1 =	vnsel vm3, $0x0, v1;
	v21 =	vtrunc.f32 v19  }
0x10a: {  	v4 =	vld [tilespmem:s14+$0xFFFFFF50];
	v36 =	vmin.u32 v1, $0x13;
	v1 =	vtrunc.f32 v20;
	v31 =	vtrunc.f32 v16  }
0x10b: {  	v7 =	vld [tilespmem:s14+$0xFFFFFF70];
	v59 =	vcvt.f32.s32 v21;
	v40 =	vcvt.f32.s32 v1;
	v1 =	vor.u32 v0, v60  }
0x10c: {  	v23 =	vld [tilespmem:s14+$0xFFFFFFE0];
	vm4 =	vgt.f32 v51, $5.000000000e-01;
	v44 =	vcvt.f32.s32 v27;
	v61 =	vcvt.f32.s32 v31  }
0x10d: {  	v27 =	vld [tilespmem:s14+$0xFFFFFFA0];
	v43 =	vmul.f32 $4.000000000e+01, v56;
	v12 =	vtrunc.f32 v12;
	vm3 =	vgt.s32 v59, $0x0  }
0x10e: {  	v19 =	vld [tilespmem:s14+$0xFFFFFF60];
	vm10 =	vgt.s32 v44, $0x0;
	v22 =	vnsel vm3, $0x0, v59;
	vm11 =	vgt.s32 v61, $0x0  }
0x10f: {  	v20 =	vld [tilespmem:s14+$0xFFFFFF40];
	vm3 =	vgt.f32 v9, $5.000000000e-01;
	v32 =	vmin.u32 v22, $0x13;
	v62 =	vnsel vm11, $0x0, v61  }
0x110: {  	v31 =	vshll.u32 v32, $0x4;
	[tilespmem:v1+s22+$0x0] =	vst.idx.add.f32.msk vm9, v26;
	v1 =	vmin.u32 v62, $0x13;
	v26 =	vtrunc.f32 v37  }
0x111: {  	v21 =	vld [tilespmem:s14+$0xFFFFFFB0];
	v37 =	vnsel vm10, $0x0, v44;
	v38 =	vor.u32 v0, v31;
	v35 =	vadd.s32 v2, v31  }
0x112: {  	v32 =	vld [tilespmem:s14+$0xFFFFFF20];
	v31 =	vcvt.f32.s32 v12;
	v12 =	vnsel vm8, $0x0, v58;
	vm8 =	vgt.s32 v40, $0x0  }
0x113: {  	s15 =	simm.s32 $0xA1F0;
	s14 =	simm.s32 $0x200;
	v42 =	vshll.u32 v1, $0x4;
	v26 =	vcvt.f32.s32 v26;
	[tilespmem:v46+s22+$0x0] =	vst.idx.add.f32.msk vm9, v45;
	v41 =	vmin.u32 v12, $0x13  }
.LBB2_4:
0x114: {  	v1 =	vld [tilespmem:s15+$0xFFFFFF10]  }
0x115: {  	s13 =	sadd.s32 $0x100, s13;
	v3 =	vld [tilespmem:s15+$0x0]  }
0x116: {  	v45 =	vld [tilespmem:s13+$0xFFFFFF20]  }
0x117: {  	v46 =	vld [tilespmem:s13+$0xFFFFFF30]  }
0x118: {  	v44 =	vshll.u32 v41, $0x4;
	v41 =	vld [tilespmem:s13+$0xFFFFFF50]  }
0x119: {  	v11 =	vmov v10;
	v10 =	vmov v55;
	v55 =	vld [tilespmem:s13+$0xFFFFFFE0]  }
0x11a: {  	v59 =	vld [tilespmem:s13+$0xFFFFFFB0]  }
0x11b: {  	v5 =	vld [tilespmem:s13+$0xFFFFFF60]  }
0x11c: {  	vm10 =	vgt.s32 v28, $0x0;
	vm11 =	vgt.s32 v26, $0x0;
	[tilespmem:v38+s22+$0x0] =	vst.idx.add.f32.msk vm6, v17  }
0x11d: {  	v62 =	vnsel vm8, $0x0, v40;
	v36 =	vshll.u32 v36, $0x4;
	v61 =	vnsel vm11, $0x0, v26;
	v26 =	vld [tilespmem:s13+$0xFFFFFFF0]  }
0x11e: {  	vm8 =	vgt.f32 v63, $5.000000000e-01;
	vm9 =	vgt.s32 v31, $0x0;
	v28 =	vnsel vm10, $0x0, v28;
	[tilespmem:$0x1FF70] =	vst v50;
	v50 =	vld [tilespmem:s13+$0xFFFFFF70]  }
0x11f: {  	v33 =	vmul.f32 $4.000000000e+01, v33;
	v31 =	vnsel vm9, $0x0, v31;
	v13 =	vmovc v23;
	v23 =	vmovc v63;
	v63 =	vmin.u32 v28, $0x13;
	v28 =	vld [tilespmem:s13+$0xFFFFFF10]  }
0x120: {  	v25 =	vor.u32 v0, v36;
	v30 =	vor.u32 v0, v44;
	v31 =	vmin.u32 v31, $0x13;
	[tilespmem:v35+s22+$0x0] =	vst.idx.add.f32.msk vm6, v39  }
0x121: {  	v6 =	vmovc v49;
	v33 =	vtrunc.f32 v33;
	v60 =	vshll.u32 v31, $0x4;
	[tilespmem:$0x1FF80] =	vst v1;
	v1 =	vtrunc.f32 v43;
	v43 =	vld [tilespmem:s13+$0xFFFFFF40]  }
0x122: {  	[tilespmem:$0x1FF40] =	vst v20;
	v22 =	vmovc v4;
	v4 =	vmov v47;
	v49 =	vadd.s32 v2, v60;
	v47 =	vor.u32 v0, v60;
	v60 =	vld [tilespmem:s13+$0xFFFFFFC0]  }
0x123: {  	v58 =	vadd.s32 v2, v36;
	v44 =	vadd.s32 v2, v44;
	v20 =	vmovc v51;
	v51 =	vcvt.f32.s32 v33;
	[tilespmem:$0x1FF90] =	vst v3;
	v3 =	vld [tilespmem:s13+$0xFFFFFFD0]  }
0x124: {  	v36 =	vmin.u32 v62, $0x13;
	vm9 =	vgt.f32 v14, $5.000000000e-01;
	[tilespmem:$0x1FF60] =	vst v19;
	v19 =	vmovc v48;
	v48 =	vor.u32 v0, v42;
	v31 =	vmovc v53;
	v53 =	vld [tilespmem:s13+$0xFFFFFF80]  }
0x125: {  	v42 =	vadd.s32 v2, v42;
	v33 =	vmin.u32 v61, $0x13;
	vm11 =	vgt.s32 v51, $0x0;
	[tilespmem:v30+s22+$0x0] =	vst.idx.add.f32.msk vm8, v23  }
0x126: {  	[tilespmem:$0x1FF50] =	vst v52;
	v52 =	vcvt.f32.s32 v29;
	v61 =	vshll.u32 v36, $0x4;
	v29 =	vnsel vm11, $0x0, v51;
	v51 =	vld [tilespmem:s13+$0xFFFFFFA0]  }
0x127: {  	v8 =	vmov v21;
	v62 =	vadd.s32 v2, v61;
	[tilespmem:v25+s22+$0x0] =	vst.idx.add.f32.msk vm2, v57;
	v36 =	vmin.u32 v29, $0x13  }
0x128: {  	v63 =	vshll.u32 v63, $0x4;
	v38 =	vor.u32 v0, v61;
	[tilespmem:v44+s22+$0x0] =	vst.idx.add.f32.msk vm8, v8;
	v12 =	vshll.u32 v36, $0x4  }
0x129: {  	vm10 =	vgt.s32 v52, $0x0;
	v29 =	vld [tilespmem:s13+$0x0];
	v36 =	vmin.u32 v37, $0x13;
	v16 =	vor.u32 v0, v12  }
0x12a: {  	[tilespmem:v58+s22+$0x0] =	vst.idx.add.f32.msk vm2, v27;
	v37 =	vadd.s32 v2, v12;
	v12 =	vnsel vm10, $0x0, v52;
	vm10 =	vgt.s32 v24, $0x0  }
0x12b: {  	v61 =	vor.u32 v0, v63;
	[tilespmem:v48+s22+$0x0] =	vst.idx.add.f32.msk vm7, v15;
	v52 =	vadd.s32 v2, v63;
	v63 =	vnsel vm10, $0x0, v24  }
0x12c: {  	[tilespmem:v47+s22+$0x0] =	vst.idx.add.f32.msk vm9, v14;
	v47 =	vmin.u32 v63, $0x13  }
0x12d: {  	v1 =	vcvt.f32.s32 v1;
	[tilespmem:v42+s22+$0x0] =	vst.idx.add.f32.msk vm7, v32;
	vm7 =	vgt.f32 v4, $5.000000000e-01;
	v47 =	vshll.u32 v47, $0x4  }
0x12e: {  	[tilespmem:v49+s22+$0x0] =	vst.idx.add.f32.msk vm9, v34;
	v34 =	vor.u32 v0, v47  }
0x12f: {  	vm12 =	vgt.s32 v1, $0x0;
	[tilespmem:v38+s22+$0x0] =	vst.idx.add.f32.msk vm1, v11  }
0x130: {  	v1 =	vnsel vm12, $0x0, v1;
	[tilespmem:v61+s22+$0x0] =	vst.idx.add.f32.msk vm4, v20  }
0x131: {  	v48 =	vadd.f32 $-5.000000000e-01, v28;
	v1 =	vmin.u32 v1, $0x13;
	v36 =	vshll.u32 v36, $0x4;
	[tilespmem:v62+s22+$0x0] =	vst.idx.add.f32.msk vm1, v22  }
0x132: {  	v21 =	vmovc v54;
	v1 =	vshll.u32 v1, $0x4;
	v18 =	vor.u32 v0, v36;
	v36 =	vadd.s32 v2, v36;
	v62 =	vld [tilespmem:s15+$0xFFFFFFF0]  }
0x133: {  	v12 =	vmin.u32 v12, $0x13;
	v14 =	vmovc v53;
	v53 =	vmul.f32 $4.000000000e+01, v48;
	v54 =	vor.u32 v0, v1;
	[tilespmem:v34+s22+$0x0] =	vst.idx.add.f32.msk vm7, v4  }
0x134: {  	v17 =	vmovc v46;
	v40 =	vadd.s32 v2, v1;
	v1 =	vshll.u32 v33, $0x4;
	v46 =	vadd.s32 v2, v47;
	v4 =	vld [tilespmem:$0x1FF50]  }
0x135: {  	vm9 =	vgt.f32 v26, $5.000000000e-01;
	v32 =	vld [tilespmem:s15+$0xFFFFFF20];
	v12 =	vshll.u32 v12, $0x4;
	v56 =	vor.u32 v0, v1  }
0x136: {  	v33 =	vld [tilespmem:s13+$0xFFFFFF90];
	v57 =	vmovc v51;
	v1 =	vadd.s32 v2, v1;
	v24 =	vadd.f32 $-5.000000000e-01, v29;
	v39 =	vor.u32 v0, v12  }
0x137: {  	v12 =	vadd.s32 v2, v12;
	v30 =	vtrunc.f32 v53;
	v48 =	vmovc v60;
	v20 =	vadd.f32 $-5.000000000e-01, v57;
	[tilespmem:v52+s22+$0x0] =	vst.idx.add.f32.msk vm4, v13  }
0x138: {  	v51 =	vmovc v55;
	v30 =	vcvt.f32.s32 v30;
	v22 =	vadd.f32 $-5.000000000e-01, v48;
	v24 =	vmul.f32 $4.000000000e+01, v24;
	[tilespmem:v16+s22+$0x0] =	vst.idx.add.f32.msk vm0, v21  }
0x139: {  	vm4 =	vgt.f32 v28, $5.000000000e-01;
	v16 =	vadd.f32 $-5.000000000e-01, v51;
	v21 =	vadd.f32 $-5.000000000e-01, v3;
	[tilespmem:v46+s22+$0x0] =	vst.idx.add.f32.msk vm7, v4  }
0x13a: {  	v20 =	vmul.f32 $4.000000000e+01, v20;
	vm6 =	vgt.s32 v30, $0x0;
	v24 =	vtrunc.f32 v24;
	v4 =	vld [tilespmem:$0x1FF60]  }
0x13b: {  	[tilespmem:v54+s22+$0x0] =	vst.idx.add.f32.msk vm3, v9;
	v27 =	vnsel vm6, $0x0, v30;
	v54 =	vmovc v5;
	v5 =	vadd.f32 $-5.000000000e-01, v26;
	vm6 =	vgt.f32 v6, $5.000000000e-01  }
0x13c: {  	v47 =	vmovc v3;
	v16 =	vmul.f32 $4.000000000e+01, v16;
	v3 =	vadd.f32 $-5.000000000e-01, v33;
	v20 =	vtrunc.f32 v20;
	[tilespmem:v56+s22+$0x0] =	vst.idx.add.f32.msk vm5, v10  }
0x13d: {  	v9 =	vmovc v43;
	v49 =	vmovc v33;
	v24 =	vcvt.f32.s32 v24;
	v25 =	vmin.u32 v27, $0x13;
	v33 =	vadd.f32 $-5.000000000e-01, v54;
	[tilespmem:v1+s22+$0x0] =	vst.idx.add.f32.msk vm5, v7  }
0x13e: {  	v20 =	vcvt.f32.s32 v20;
	v30 =	vadd.f32 $-5.000000000e-01, v9;
	v1 =	vshll.u32 v25, $0x4;
	v7 =	vld [tilespmem:$0x1FF40]  }
0x13f: {  	v5 =	vmul.f32 $4.000000000e+01, v5;
	vm5 =	vgt.f32 v29, $5.000000000e-01;
	v3 =	vmul.f32 $4.000000000e+01, v3;
	[tilespmem:v37+s22+$0x0] =	vst.idx.add.f32.msk vm0, v4  }
0x140: {  	v16 =	vtrunc.f32 v16;
	vm2 =	vgt.s32 v24, $0x0;
	v25 =	vor.u32 v0, v1;
	v4 =	vld [tilespmem:$0x1FF70]  }
0x141: {  	v34 =	vld [tilespmem:s15+$0xFFFFFF80];
	v1 =	vadd.s32 v2, v1;
	v43 =	vmul.f32 $4.000000000e+01, v30;
	v24 =	vnsel vm2, $0x0, v24  }
0x142: {  	vm2 =	vgt.f32 v19, $5.000000000e-01;
	v5 =	vtrunc.f32 v5;
	v24 =	vmin.u32 v24, $0x13;
	[tilespmem:v18+s22+$0x0] =	vst.idx.add.f32.msk vm6, v6  }
0x143: {  	v55 =	vmovc v50;
	v3 =	vtrunc.f32 v3;
	v5 =	vcvt.f32.s32 v5;
	v24 =	vshll.u32 v24, $0x4;
	[tilespmem:v40+s22+$0x0] =	vst.idx.add.f32.msk vm3, v7  }
0x144: {  	v3 =	vcvt.f32.s32 v3;
	v18 =	vadd.f32 $-5.000000000e-01, v55;
	v23 =	vor.u32 v0, v24;
	v7 =	vld [tilespmem:s15+$0xFFFFFF70]  }
0x145: {  	v15 =	vmovc v45;
	v24 =	vadd.s32 v2, v24;
	vm1 =	vgt.s32 v5, $0x0;
	vm3 =	vgt.s32 v20, $0x0;
	[tilespmem:v36+s22+$0x0] =	vst.idx.add.f32.msk vm6, v4  }
0x146: {  	v10 =	vmovc v41;
	vm7 =	vgt.f32 v15, $5.000000000e-01;
	vm10 =	vgt.s32 v3, $0x0;
	v5 =	vnsel vm1, $0x0, v5;
	v4 =	vld [tilespmem:$0x1FF80]  }
0x147: {  	vm1 =	vgt.f32 v10, $5.000000000e-01;
	[tilespmem:v25+s22+$0x0] =	vst.idx.add.f32.msk vm4, v28;
	v18 =	vmul.f32 $4.000000000e+01, v18;
	v28 =	vcvt.f32.s32 v16  }
0x148: {  	v16 =	vadd.f32 $-5.000000000e-01, v15;
	v20 =	vnsel vm3, $0x0, v20;
	v52 =	vld [tilespmem:s15+$0xFFFFFFD0];
	v5 =	vmin.u32 v5, $0x13  }
0x149: {  	v63 =	vmovc v59;
	[tilespmem:v39+s22+$0x0] =	vst.idx.add.f32.msk vm2, v19;
	v19 =	vmul.f32 $4.000000000e+01, v21;
	v21 =	vmul.f32 $4.000000000e+01, v22;
	v22 =	vadd.f32 $-5.000000000e-01, v14  }
0x14a: {  	v16 =	vmul.f32 $4.000000000e+01, v16;
	v5 =	vshll.u32 v5, $0x4;
	[tilespmem:v12+s22+$0x0] =	vst.idx.add.f32.msk vm2, v31;
	v12 =	vadd.f32 $-5.000000000e-01, v63  }
0x14b: {  	vm2 =	vgt.f32 v57, $5.000000000e-01;
	v19 =	vtrunc.f32 v19;
	[tilespmem:v1+s22+$0x0] =	vst.idx.add.f32.msk vm4, v4;
	v1 =	vadd.f32 $-5.000000000e-01, v17  }
0x14c: {  	v61 =	vor.u32 v0, v5;
	[tilespmem:v23+s22+$0x0] =	vst.idx.add.f32.msk vm5, v29;
	v29 =	vtrunc.f32 v21;
	v16 =	vtrunc.f32 v16  }
0x14d: {  	v39 =	vld [tilespmem:s15+$0xFFFFFF30];
	v23 =	vadd.f32 $-5.000000000e-01, v10;
	v31 =	vmul.f32 $4.000000000e+01, v22;
	v1 =	vmul.f32 $4.000000000e+01, v1  }
0x14e: {  	v5 =	vadd.s32 v2, v5;
	v53 =	vld [tilespmem:s15+$0xFFFFFFC0];
	v12 =	vmul.f32 $4.000000000e+01, v12;
	v16 =	vcvt.f32.s32 v16  }
0x14f: {  	vm0 =	vgt.f32 v54, $5.000000000e-01;
	v21 =	vld [tilespmem:s15+$0xFFFFFFB0];
	v25 =	vmul.f32 $4.000000000e+01, v23;
	v1 =	vtrunc.f32 v1  }
0x150: {  	v37 =	vnsel vm10, $0x0, v3;
	v31 =	vtrunc.f32 v31;
	v4 =	vld [tilespmem:$0x1FF90];
	v1 =	vcvt.f32.s32 v1  }
0x151: {  	v23 =	vld [tilespmem:s15+$0xFFFFFFE0];
	v12 =	vtrunc.f32 v12;
	vm11 =	vgt.s32 v16, $0x0;
	v31 =	vcvt.f32.s32 v31  }
0x152: {  	v12 =	vcvt.f32.s32 v12;
	v27 =	vtrunc.f32 v25;
	[tilespmem:v61+s22+$0x0] =	vst.idx.add.f32.msk vm9, v26;
	vm3 =	vgt.s32 v1, $0x0  }
0x153: {  	s14 =	sadd.s32 $0x10, s14;
	vm6 =	vgt.f32 v17, $5.000000000e-01;
	v36 =	vmin.u32 v20, $0x13;
	v20 =	vld [tilespmem:s15+$0xFFFFFF40];
	v1 =	vnsel vm3, $0x0, v1  }
0x154: {  	p0 =	slt.u32 s14, $0x3F0;
	v40 =	vcvt.f32.s32 v27;
	v27 =	vld [tilespmem:s15+$0xFFFFFFA0];
	vm8 =	vgt.s32 v12, $0x0;
	v1 =	vmin.u32 v1, $0x13  }
.Ltmp1:
0x155: {  	vm4 =	vgt.f32 v51, $5.000000000e-01;
	[tilespmem:v24+s22+$0x0] =	vst.idx.add.f32.msk vm5, v4;
	v24 =	vcvt.f32.s32 v19;
	v1 =	vshll.u32 v1, $0x4;
	(pc) =	sbr.rel @p0 .LBB2_4-.Ltmp1, $4  }
0x156: {  	[tilespmem:v5+s22+$0x0] =	vst.idx.add.f32.msk vm9, v62;
	vm5 =	vgt.f32 v55, $5.000000000e-01;
	vm3 =	vgt.f32 v9, $5.000000000e-01;
	v38 =	vor.u32 v0, v1  }
0x157: {  	v50 =	vld [tilespmem:s15+$0xFFFFFF90];
	v35 =	vadd.s32 v2, v1;
	v1 =	vnsel vm8, $0x0, v12;
	v12 =	vnsel vm11, $0x0, v16  }
0x158: {  	v19 =	vld [tilespmem:s15+$0xFFFFFF60];
	vm8 =	vgt.s32 v40, $0x0;
	v16 =	vtrunc.f32 v18;
	v12 =	vmin.u32 v12, $0x13  }
0x159: {  	v4 =	vld [tilespmem:s15+$0xFFFFFF50];
	s15 =	sadd.s32 $0x100, s15;
	v41 =	vmin.u32 v1, $0x13;
	v26 =	vcvt.f32.s32 v16;
	v42 =	vshll.u32 v12, $0x4  }
0x15a: {  	vm9 =	vgt.s32 v31, $0x0  }
0x15b: {  	v3 =	vtrunc.f32 v43;
	vm10 =	vgt.f32 v14, $5.000000000e-01;
	v5 =	vmul.f32 $4.000000000e+01, v33  }
0x15c: {  	v16 =	vshll.u32 v41, $0x4;
	vm11 =	vgt.s32 v28, $0x0;
	v18 =	vor.u32 v0, v42  }
0x15d: {  	v30 =	vadd.s32 v2, v42;
	vm15 =	vgt.f32 v63, $5.000000000e-01;
	v1 =	vnsel vm9, $0x0, v31  }
0x15e: {  	v3 =	vcvt.f32.s32 v3;
	v31 =	vshll.u32 v36, $0x4;
	v1 =	vmin.u32 v1, $0x13  }
0x15f: {  	[tilespmem:v38+s22+$0x0] =	vst.idx.add.f32.msk vm6, v17;
	vm12 =	vgt.s32 v26, $0x0;
	v17 =	vor.u32 v0, v31;
	v1 =	vshll.u32 v1, $0x4  }
0x160: {  	v5 =	vtrunc.f32 v5;
	v26 =	vnsel vm12, $0x0, v26;
	v12 =	vor.u32 v0, v1  }
0x161: {  	vm9 =	vgt.s32 v3, $0x0;
	v1 =	vadd.s32 v2, v1;
	[tilespmem:v18+s22+$0x0] =	vst.idx.add.f32.msk vm7, v15;
	v15 =	vmin.u32 v26, $0x13  }
0x162: {  	[tilespmem:v35+s22+$0x0] =	vst.idx.add.f32.msk vm6, v39;
	v5 =	vcvt.f32.s32 v5;
	v18 =	vadd.s32 v2, v31;
	v15 =	vshll.u32 v15, $0x4  }
0x163: {  	v11 =	vcvt.f32.s32 v29;
	v3 =	vnsel vm9, $0x0, v3;
	[tilespmem:v30+s22+$0x0] =	vst.idx.add.f32.msk vm7, v32;
	v30 =	vor.u32 v0, v15  }
0x164: {  	v3 =	vmin.u32 v3, $0x13;
	vm6 =	vgt.s32 v5, $0x0;
	[tilespmem:v17+s22+$0x0] =	vst.idx.add.f32.msk vm2, v57;
	v8 =	vadd.s32 v2, v15  }
0x165: {  	v3 =	vshll.u32 v3, $0x4;
	[tilespmem:v12+s22+$0x0] =	vst.idx.add.f32.msk vm10, v14;
	v12 =	vnsel vm11, $0x0, v28;
	v14 =	vor.u32 v0, v16  }
0x166: {  	v5 =	vnsel vm6, $0x0, v5;
	v28 =	vor.u32 v0, v3;
	v12 =	vmin.u32 v12, $0x13;
	[tilespmem:v1+s22+$0x0] =	vst.idx.add.f32.msk vm10, v34  }
0x167: {  	v3 =	vadd.s32 v2, v3;
	v1 =	vnsel vm8, $0x0, v40;
	[tilespmem:v18+s22+$0x0] =	vst.idx.add.f32.msk vm2, v27;
	v12 =	vshll.u32 v12, $0x4  }
0x168: {  	vm6 =	vgt.s32 v11, $0x0;
	v1 =	vmin.u32 v1, $0x13;
	v26 =	vor.u32 v0, v12;
	[tilespmem:v30+s22+$0x0] =	vst.idx.add.f32.msk vm5, v55  }
0x169: {  	v5 =	vmin.u32 v5, $0x13;
	v12 =	vadd.s32 v2, v12;
	v1 =	vshll.u32 v1, $0x4;
	[tilespmem:v8+s22+$0x0] =	vst.idx.add.f32.msk vm5, v7  }
0x16a: {  	v11 =	vnsel vm6, $0x0, v11;
	v5 =	vshll.u32 v5, $0x4;
	v13 =	vor.u32 v0, v1;
	[tilespmem:v14+s22+$0x0] =	vst.idx.add.f32.msk vm15, v63  }
0x16b: {  	vm6 =	vgt.f32 v48, $5.000000000e-01;
	vm2 =	vgt.s32 v24, $0x0;
	[tilespmem:v28+s22+$0x0] =	vst.idx.add.f32.msk vm3, v9;
	v14 =	vor.u32 v0, v5  }
0x16c: {  	v6 =	vmin.u32 v11, $0x13;
	v11 =	vnsel vm2, $0x0, v24;
	v1 =	vadd.s32 v2, v1;
	[tilespmem:v3+s22+$0x0] =	vst.idx.add.f32.msk vm3, v20  }
0x16d: {  	v6 =	vshll.u32 v6, $0x4;
	v8 =	vmin.u32 v11, $0x13;
	v9 =	vadd.s32 v2, v16;
	[tilespmem:v26+s22+$0x0] =	vst.idx.add.f32.msk vm4, v51  }
0x16e: {  	vm2 =	vgt.f32 v47, $5.000000000e-01;
	v8 =	vshll.u32 v8, $0x4;
	[tilespmem:v12+s22+$0x0] =	vst.idx.add.f32.msk vm4, v23;
	v12 =	vor.u32 v0, v6  }
0x16f: {  	[tilespmem:v13+s22+$0x0] =	vst.idx.add.f32.msk vm1, v10;
	v10 =	vor.u32 v0, v8  }
0x170: {  	v7 =	vmin.u32 v37, $0x13;
	v6 =	vadd.s32 v2, v6;
	[tilespmem:v14+s22+$0x0] =	vst.idx.add.f32.msk vm0, v54  }
0x171: {  	[tilespmem:v1+s22+$0x0] =	vst.idx.add.f32.msk vm1, v4;
	v1 =	vshll.u32 v7, $0x4;
	v7 =	vadd.s32 v2, v8  }
0x172: {  	vm1 =	vgt.f32 v49, $5.000000000e-01;
	[tilespmem:v9+s22+$0x0] =	vst.idx.add.f32.msk vm15, v21;
	v4 =	vadd.s32 v2, v5  }
0x173: {  	v8 =	vor.u32 v0, v1;
	[tilespmem:v12+s22+$0x0] =	vst.idx.add.f32.msk vm6, v48  }
0x174: {  	v1 =	vadd.s32 v2, v1;
	[tilespmem:v10+s22+$0x0] =	vst.idx.add.f32.msk vm2, v47  }
0x175: {  	[tilespmem:v6+s22+$0x0] =	vst.idx.add.f32.msk vm6, v53  }
0x176: {  	[tilespmem:v7+s22+$0x0] =	vst.idx.add.f32.msk vm2, v52  }
0x177: {  	[tilespmem:v4+s22+$0x0] =	vst.idx.add.f32.msk vm0, v19  }
0x178: {  	[tilespmem:v8+s22+$0x0] =	vst.idx.add.f32.msk vm1, v49  }
0x179: {  	[tilespmem:v1+s22+$0x0] =	vst.idx.add.f32.msk vm1, v50  }
0x17a: {  	_ =	swait.ge [sflag:s25], $0x2000  }
0x17b: {  	[sflag:s25] =	ssyncset.done $0x0  }
0x17c: {  	[sflag:s25] =	ssyncadd.s32 $0xFFFFE000  }
0x17d: {  	_ =	swait.ge [sflag:s26], $0x2000  }
0x17e: {  	[sflag:s26] =	ssyncset.done $0x0  }
0x17f: {  	s13 =	simm.s32 $0x0;
	[sflag:s26] =	ssyncadd.s32 $0xFFFFE000  }
0x180: {  	v23 =	vld [tilespmem:s13+$0x40C0]  }
0x181: {  	v6 =	vld [tilespmem:s13+$0x4040]  }
0x182: {  	v1 =	vld [tilespmem:s13+$0x4000]  }
0x183: {  	v25 =	vld [tilespmem:s13+$0x40E0]  }
0x184: {  	v13 =	vld [tilespmem:s13+$0x4020]  }
0x185: {  	v24 =	vld [tilespmem:s13+$0x40D0];
	_ =	sdelay $0x1  }
0x186: {  	v3 =	vadd.f32 $-5.000000000e-01, v23  }
0x187: {  	v5 =	vadd.f32 $-5.000000000e-01, v6;
	v7 =	vadd.f32 $-5.000000000e-01, v1  }
0x188: {  	v4 =	vld [tilespmem:s13+$0x40F0];
	v17 =	vadd.f32 $-5.000000000e-01, v25;
	v26 =	vadd.f32 $-5.000000000e-01, v13;
	v3 =	vmul.f32 $4.000000000e+01, v3  }
0x189: {  	v21 =	vld [tilespmem:s13+$0x4080];
	v48 =	vadd.f32 $-5.000000000e-01, v24;
	v5 =	vmul.f32 $4.000000000e+01, v5;
	v11 =	vmul.f32 $4.000000000e+01, v7  }
0x18a: {  	vm0 =	vgt.f32 v23, $5.000000000e-01;
	v17 =	vmul.f32 $4.000000000e+01, v17;
	v62 =	vmul.f32 $4.000000000e+01, v26  }
0x18b: {  	vm2 =	vgt.f32 v24, $5.000000000e-01;
	v7 =	vld [tilespmem:s13+$0x4070];
	v41 =	vmul.f32 $4.000000000e+01, v48;
	v8 =	vtrunc.f32 v3  }
0x18c: {  	vm3 =	vgt.f32 v25, $5.000000000e-01;
	v3 =	vtrunc.f32 v5;
	v17 =	vtrunc.f32 v17  }
0x18d: {  	v28 =	vld [tilespmem:s13+$0x4050];
	v5 =	vadd.f32 $-5.000000000e-01, v4;
	v36 =	vtrunc.f32 v62;
	v9 =	vcvt.f32.s32 v3  }
0x18e: {  	v12 =	vadd.f32 $-5.000000000e-01, v21;
	v10 =	vcvt.f32.s32 v8;
	v36 =	vcvt.f32.s32 v36  }
0x18f: {  	vm5 =	vgt.f32 v21, $5.000000000e-01;
	v8 =	vld [tilespmem:s13+$0x4060];
	v52 =	vcvt.f32.s32 v17;
	v30 =	vmul.f32 $4.000000000e+01, v5  }
0x190: {  	v26 =	vld [tilespmem:s13+$0x4030];
	vm1 =	vgt.s32 v9, $0x0;
	vm4 =	vgt.s32 v10, $0x0;
	v22 =	vadd.f32 $-5.000000000e-01, v7  }
0x191: {  	v5 =	vnsel vm1, $0x0, v9;
	v9 =	vnsel vm4, $0x0, v10;
	v10 =	vmul.f32 $4.000000000e+01, v12  }
0x192: {  	v59 =	vld [tilespmem:s13+$0xC080];
	v12 =	vadd.f32 $-5.000000000e-01, v28;
	v30 =	vtrunc.f32 v30;
	v9 =	vmin.u32 v9, $0x13  }
0x193: {  	v63 =	vld [tilespmem:s13+$0xC000];
	v20 =	vmin.u32 v5, $0x13;
	v32 =	vshll.u32 v9, $0x4;
	v9 =	vtrunc.f32 v11  }
0x194: {  	v51 =	vld [tilespmem:s13+$0xC050];
	v5 =	vtrunc.f32 v10;
	v10 =	vmul.f32 $4.000000000e+01, v12;
	v11 =	vadd.f32 $-5.000000000e-01, v8  }
0x195: {  	v58 =	vld [tilespmem:s13+$0xC0E0];
	v53 =	vadd.f32 $-5.000000000e-01, v26;
	v12 =	vcvt.f32.s32 v5;
	v9 =	vcvt.f32.s32 v9  }
0x196: {  	v35 =	vld [tilespmem:s13+$0xC0C0];
	vm4 =	vgt.f32 v28, $5.000000000e-01;
	v30 =	vcvt.f32.s32 v30;
	v16 =	vmul.f32 $4.000000000e+01, v11  }
0x197: {  	v3 =	vld [tilespmem:s13+$0x40B0];
	v14 =	vtrunc.f32 v10;
	vm1 =	vgt.s32 v12, $0x0;
	vm6 =	vgt.s32 v9, $0x0  }
0x198: {  	v17 =	vld [tilespmem:s13+$0xC0F0];
	v18 =	vcvt.f32.s32 v14;
	v9 =	vnsel vm6, $0x0, v9;
	v16 =	vtrunc.f32 v16  }
0x199: {  	v11 =	vld [tilespmem:s13+$0x4010];
	v12 =	vnsel vm1, $0x0, v12;
	v19 =	vcvt.f32.s32 v16;
	v16 =	vmin.u32 v9, $0x13  }
0x19a: {  	v5 =	vld [tilespmem:s13+$0xC0A0];
	vm1 =	vgt.f32 v1, $5.000000000e-01;
	v12 =	vmin.u32 v12, $0x13;
	v31 =	vshll.u32 v16, $0x4  }
0x19b: {  	v10 =	vld [tilespmem:s13+$0xC070];
	vm6 =	vgt.s32 v18, $0x0;
	v29 =	vshll.u32 v12, $0x4;
	v60 =	vor.u32 v0, v31  }
0x19c: {  	v14 =	vld [tilespmem:s13+$0x4090];
	v18 =	vnsel vm6, $0x0, v18;
	vm6 =	vgt.s32 v19, $0x0;
	v46 =	vor.u32 v0, v29  }
0x19d: {  	v9 =	vld [tilespmem:s13+$0xC010];
	v45 =	vmin.u32 v18, $0x13;
	v31 =	vadd.s32 v2, v31;
	v50 =	vadd.s32 v2, v29  }
0x19e: {  	v12 =	vld [tilespmem:s13+$0xC0B0];
	v61 =	vnsel vm6, $0x0, v19;
	v19 =	vadd.f32 $-5.000000000e-01, v11;
	v38 =	vshll.u32 v45, $0x4  }
0x19f: {  	v15 =	vadd.f32 $-5.000000000e-01, v3;
	v62 =	vor.u32 v0, v32;
	v16 =	vld [tilespmem:s13+$0xC060];
	v49 =	vor.u32 v0, v38  }
0x1a0: {  	vm6 =	vgt.s32 v36, $0x0;
	v38 =	vadd.s32 v2, v38;
	v47 =	vmul.f32 $4.000000000e+01, v19;
	[tilespmem:v60+s22+$0x0] =	vst.idx.add.f32.msk vm1, v1  }
0x1a1: {  	v27 =	vadd.f32 $-5.000000000e-01, v14;
	v36 =	vnsel vm6, $0x0, v36;
	v29 =	vmin.u32 v61, $0x13;
	[tilespmem:v46+s22+$0x0] =	vst.idx.add.f32.msk vm5, v21  }
0x1a2: {  	vm6 =	vgt.s32 v52, $0x0;
	v1 =	vtrunc.f32 v47;
	v21 =	vtrunc.f32 v41;
	[tilespmem:v31+s22+$0x0] =	vst.idx.add.f32.msk vm1, v63  }
0x1a3: {  	v36 =	vmin.u32 v36, $0x13;
	v1 =	vcvt.f32.s32 v1;
	v21 =	vcvt.f32.s32 v21;
	[tilespmem:v50+s22+$0x0] =	vst.idx.add.f32.msk vm5, v59  }
0x1a4: {  	vm1 =	vgt.f32 v4, $5.000000000e-01;
	v31 =	vmul.f32 $4.000000000e+01, v53;
	[tilespmem:v49+s22+$0x0] =	vst.idx.add.f32.msk vm4, v28;
	v28 =	vnsel vm6, $0x0, v52  }
0x1a5: {  	vm5 =	vgt.f32 v26, $5.000000000e-01;
	[tilespmem:v38+s22+$0x0] =	vst.idx.add.f32.msk vm4, v51;
	vm4 =	vgt.s32 v21, $0x0;
	v28 =	vmin.u32 v28, $0x13  }
0x1a6: {  	[tilespmem:v62+s22+$0x0] =	vst.idx.add.f32.msk vm0, v23;
	v31 =	vtrunc.f32 v31;
	v54 =	vnsel vm4, $0x0, v21;
	v28 =	vshll.u32 v28, $0x4  }
0x1a7: {  	v18 =	vld [tilespmem:s13+$0xC020];
	v55 =	vcvt.f32.s32 v31;
	v31 =	vmin.u32 v54, $0x13;
	v56 =	vor.u32 v0, v28  }
0x1a8: {  	v19 =	vld [tilespmem:s13+$0xC090];
	v63 =	vshll.u32 v36, $0x4;
	v59 =	vadd.s32 v2, v28;
	v57 =	vshll.u32 v31, $0x4  }
0x1a9: {  	v38 =	vadd.s32 v2, v32;
	v21 =	vld [tilespmem:s13+$0x40A0];
	vm4 =	vgt.s32 v30, $0x0;
	v60 =	vor.u32 v0, v57  }
0x1aa: {  	v28 =	vnsel vm4, $0x0, v30;
	v30 =	vld [tilespmem:s13+$0xC0D0];
	vm4 =	vgt.s32 v55, $0x0;
	v61 =	vadd.s32 v2, v57  }
0x1ab: {  	v32 =	vadd.s32 v2, v63;
	v31 =	vld [tilespmem:s13+$0xC040];
	v34 =	vnsel vm4, $0x0, v55;
	vm4 =	vgt.s32 v1, $0x0  }
0x1ac: {  	v28 =	vmin.u32 v28, $0x13;
	v34 =	vmin.u32 v34, $0x13;
	v1 =	vnsel vm4, $0x0, v1;
	[tilespmem:v56+s22+$0x0] =	vst.idx.add.f32.msk vm3, v25  }
0x1ad: {  	v28 =	vshll.u32 v28, $0x4;
	v1 =	vmin.u32 v1, $0x13;
	v25 =	vshll.u32 v34, $0x4;
	[tilespmem:v59+s22+$0x0] =	vst.idx.add.f32.msk vm3, v58  }
0x1ae: {  	v37 =	vor.u32 v0, v25;
	v36 =	vadd.s32 v2, v25;
	v25 =	vshll.u32 v1, $0x4;
	[tilespmem:v60+s22+$0x0] =	vst.idx.add.f32.msk vm2, v24  }
0x1af: {  	s14 =	simm.s32 $0x400;
	s15 =	simm.s32 $0x400;
	v34 =	vor.u32 v0, v63;
	[tilespmem:v61+s22+$0x0] =	vst.idx.add.f32.msk vm2, v30;
	vm2 =	vgt.f32 v11, $5.000000000e-01;
	v30 =	vor.u32 v0, v25  }
.LBB2_6:
0x1b0: {  	s14 =	sadd.s32 $0x10, s14;
	v33 =	vadd.s32 v2, v25;
	v1 =	vld [tilespmem:s13+$0xC030];
	s13 =	sshra.s32 s15, $0x2;
	v23 =	vshll.u32 v29, $0x4;
	v39 =	vor.u32 v0, v28  }
0x1b1: {  	vm4 =	vgt.f32 v8, $5.000000000e-01;
	v40 =	vld [tilespmem:s13+$0x40F0];
	p0 =	slt.u32 s14, $0x5F0;
	v41 =	vor.u32 v0, v23;
	v42 =	vadd.s32 v2, v23  }
0x1b2: {  	v22 =	vmul.f32 $4.000000000e+01, v22;
	v24 =	vmul.f32 $4.000000000e+01, v27;
	v27 =	vadd.s32 v2, v28;
	v23 =	vld [tilespmem:s13+$0x40E0]  }
0x1b3: {  	vm3 =	vgt.f32 v13, $5.000000000e-01;
	vm6 =	vgt.f32 v6, $5.000000000e-01;
	v25 =	vadd.f32 $-5.000000000e-01, v21;
	[tilespmem:v38+s22+$0x0] =	vst.idx.add.f32.msk vm0, v35  }
0x1b4: {  	v20 =	vshll.u32 v20, $0x4;
	v22 =	vtrunc.f32 v22;
	v24 =	vtrunc.f32 v24;
	[tilespmem:v37+s22+$0x0] =	vst.idx.add.f32.msk vm5, v26  }
0x1b5: {  	v25 =	vmul.f32 $4.000000000e+01, v25;
	v35 =	vcvt.f32.s32 v24;
	v26 =	vor.u32 v0, v20;
	v29 =	vld [tilespmem:s13+$0x4000]  }
0x1b6: {  	[tilespmem:v36+s22+$0x0] =	vst.idx.add.f32.msk vm5, v1;
	v1 =	vadd.s32 v2, v20;
	v20 =	vcvt.f32.s32 v22  }
0x1b7: {  	v15 =	vmul.f32 $4.000000000e+01, v15;
	v22 =	vtrunc.f32 v25;
	v24 =	vld [tilespmem:s13+$0x40C0]  }
0x1b8: {  	vm5 =	vgt.s32 v35, $0x0;
	v22 =	vcvt.f32.s32 v22;
	v28 =	vld [tilespmem:s13+$0x4050];
	vm0 =	vgt.s32 v20, $0x0  }
0x1b9: {  	v35 =	vnsel vm5, $0x0, v35;
	v25 =	vld [tilespmem:s13+$0x40D0];
	v20 =	vnsel vm0, $0x0, v20  }
0x1ba: {  	vm0 =	vgt.s32 v22, $0x0;
	[tilespmem:v26+s22+$0x0] =	vst.idx.add.f32.msk vm6, v6;
	v6 =	vmin.u32 v20, $0x13;
	v20 =	vmin.u32 v35, $0x13  }
0x1bb: {  	[tilespmem:v1+s22+$0x0] =	vst.idx.add.f32.msk vm6, v31;
	vm6 =	vgt.f32 v14, $5.000000000e-01;
	v1 =	vshll.u32 v20, $0x4;
	v20 =	vnsel vm0, $0x0, v22  }
0x1bc: {  	v22 =	vshll.u32 v6, $0x4;
	v6 =	vtrunc.f32 v15;
	v31 =	vld [tilespmem:s13+$0x4080];
	v26 =	vor.u32 v0, v1  }
0x1bd: {  	v1 =	vadd.s32 v2, v1;
	v15 =	vmin.u32 v20, $0x13;
	v20 =	vcvt.f32.s32 v6;
	[tilespmem:v39+s22+$0x0] =	vst.idx.add.f32.msk vm1, v4;
	v4 =	vmovc v40  }
0x1be: {  	v35 =	vor.u32 v0, v22;
	v15 =	vshll.u32 v15, $0x4;
	v6 =	vld [tilespmem:s13+$0x4040]  }
0x1bf: {  	vm7 =	vgt.f32 v7, $5.000000000e-01;
	vm0 =	vgt.s32 v20, $0x0;
	[tilespmem:v34+s22+$0x0] =	vst.idx.add.f32.msk vm3, v13;
	v13 =	vadd.s32 v2, v22  }
0x1c0: {  	v22 =	vor.u32 v0, v15;
	[tilespmem:v41+s22+$0x0] =	vst.idx.add.f32.msk vm4, v8;
	v8 =	vnsel vm0, $0x0, v20  }
0x1c1: {  	[tilespmem:v26+s22+$0x0] =	vst.idx.add.f32.msk vm6, v14;
	v8 =	vmin.u32 v8, $0x13  }
0x1c2: {  	vm5 =	vgt.f32 v3, $5.000000000e-01;
	v14 =	vadd.f32 $-5.000000000e-01, v24;
	[tilespmem:v42+s22+$0x0] =	vst.idx.add.f32.msk vm4, v16;
	v8 =	vshll.u32 v8, $0x4  }
0x1c3: {  	vm0 =	vgt.f32 v24, $5.000000000e-01;
	[tilespmem:v1+s22+$0x0] =	vst.idx.add.f32.msk vm6, v19;
	v1 =	vor.u32 v0, v8  }
0x1c4: {  	v16 =	vadd.f32 $-5.000000000e-01, v6;
	v14 =	vmul.f32 $4.000000000e+01, v14;
	[tilespmem:v32+s22+$0x0] =	vst.idx.add.f32.msk vm3, v18;
	v18 =	vadd.s32 v2, v8  }
0x1c5: {  	vm3 =	vgt.f32 v25, $5.000000000e-01;
	[tilespmem:v35+s22+$0x0] =	vst.idx.add.f32.msk vm7, v7  }
0x1c6: {  	v7 =	vmul.f32 $4.000000000e+01, v16;
	v16 =	vadd.f32 $-5.000000000e-01, v4;
	[tilespmem:v13+s22+$0x0] =	vst.idx.add.f32.msk vm7, v10  }
0x1c7: {  	vm4 =	vgt.f32 v23, $5.000000000e-01;
	v8 =	vadd.f32 $-5.000000000e-01, v29;
	v10 =	vtrunc.f32 v14;
	[tilespmem:v30+s22+$0x0] =	vst.idx.add.f32.msk vm2, v11  }
0x1c8: {  	v19 =	vadd.f32 $-5.000000000e-01, v23;
	vm6 =	vgt.f32 v21, $5.000000000e-01;
	v7 =	vtrunc.f32 v7;
	[tilespmem:v1+s22+$0x0] =	vst.idx.add.f32.msk vm5, v3  }
0x1c9: {  	v1 =	vmul.f32 $4.000000000e+01, v8;
	v7 =	vcvt.f32.s32 v7;
	v3 =	vld [tilespmem:s13+$0x40B0]  }
0x1ca: {  	v10 =	vcvt.f32.s32 v10;
	v11 =	vadd.s32 v2, v15;
	v8 =	vld [tilespmem:s13+$0x4060]  }
0x1cb: {  	v32 =	vmul.f32 $4.000000000e+01, v16;
	vm7 =	vgt.s32 v7, $0x0;
	[tilespmem:v18+s22+$0x0] =	vst.idx.add.f32.msk vm5, v12  }
0x1cc: {  	v12 =	vadd.f32 $-5.000000000e-01, v31;
	vm5 =	vgt.s32 v10, $0x0;
	[tilespmem:v27+s22+$0x0] =	vst.idx.add.f32.msk vm1, v17  }
0x1cd: {  	v13 =	vnsel vm7, $0x0, v7;
	v10 =	vnsel vm5, $0x0, v10;
	v7 =	vld [tilespmem:s13+$0x4070]  }
0x1ce: {  	vm5 =	vgt.f32 v28, $5.000000000e-01;
	v12 =	vmul.f32 $4.000000000e+01, v12;
	v10 =	vmin.u32 v10, $0x13;
	[tilespmem:v22+s22+$0x0] =	vst.idx.add.f32.msk vm6, v21  }
0x1cf: {  	v14 =	vadd.f32 $-5.000000000e-01, v28;
	v15 =	vadd.f32 $-5.000000000e-01, v3;
	v30 =	vshll.u32 v10, $0x4;
	[tilespmem:v11+s22+$0x0] =	vst.idx.add.f32.msk vm6, v5  }
0x1d0: {  	v1 =	vtrunc.f32 v1;
	v20 =	vmin.u32 v13, $0x13;
	v5 =	vtrunc.f32 v12;
	[tilespmem:v33+s22+$0x0] =	vst.idx.add.f32.msk vm2, v9  }
0x1d1: {  	v10 =	vadd.f32 $-5.000000000e-01, v8;
	v9 =	vmul.f32 $4.000000000e+01, v14;
	v12 =	vcvt.f32.s32 v5;
	v5 =	vld [tilespmem:s13+$0xC0A0]  }
0x1d2: {  	v1 =	vcvt.f32.s32 v1;
	vm2 =	vgt.f32 v31, $5.000000000e-01;
	v13 =	vld [tilespmem:s13+$0x4020];
	v22 =	vadd.f32 $-5.000000000e-01, v7  }
0x1d3: {  	v14 =	vmul.f32 $4.000000000e+01, v10;
	v9 =	vtrunc.f32 v9;
	vm1 =	vgt.s32 v12, $0x0;
	v10 =	vld [tilespmem:s13+$0xC070]  }
0x1d4: {  	vm6 =	vgt.s32 v1, $0x0;
	v16 =	vcvt.f32.s32 v9;
	v9 =	vnsel vm1, $0x0, v12;
	v11 =	vld [tilespmem:s13+$0x4010]  }
0x1d5: {  	v1 =	vnsel vm6, $0x0, v1;
	v12 =	vtrunc.f32 v14;
	v9 =	vmin.u32 v9, $0x13;
	v14 =	vld [tilespmem:s13+$0x4090]  }
0x1d6: {  	v17 =	vcvt.f32.s32 v12;
	vm6 =	vgt.s32 v16, $0x0;
	v21 =	vshll.u32 v9, $0x4;
	v12 =	vld [tilespmem:s13+$0xC0B0]  }
0x1d7: {  	v1 =	vmin.u32 v1, $0x13;
	vm1 =	vgt.f32 v29, $5.000000000e-01;
	v18 =	vnsel vm6, $0x0, v16;
	v9 =	vld [tilespmem:s13+$0xC010]  }
0x1d8: {  	v1 =	vshll.u32 v1, $0x4;
	vm6 =	vgt.s32 v17, $0x0;
	v26 =	vadd.f32 $-5.000000000e-01, v13;
	v33 =	vld [tilespmem:s13+$0xC080]  }
0x1d9: {  	v19 =	vmul.f32 $4.000000000e+01, v19;
	v34 =	vor.u32 v0, v1;
	v17 =	vnsel vm6, $0x0, v17;
	v16 =	vld [tilespmem:s13+$0xC060]  }
0x1da: {  	v35 =	vadd.f32 $-5.000000000e-01, v11;
	v36 =	vmul.f32 $4.000000000e+01, v26;
	v26 =	vld [tilespmem:s13+$0x4030];
	v27 =	vadd.f32 $-5.000000000e-01, v14  }
0x1db: {  	v40 =	vtrunc.f32 v19;
	v39 =	vor.u32 v0, v21;
	v38 =	vmin.u32 v18, $0x13;
	v37 =	vld [tilespmem:s13+$0xC000]  }
0x1dc: {  	v1 =	vadd.s32 v2, v1;
	v35 =	vmul.f32 $4.000000000e+01, v35;
	v36 =	vtrunc.f32 v36;
	v19 =	vld [tilespmem:s13+$0xC090]  }
0x1dd: {  	v41 =	vadd.f32 $-5.000000000e-01, v25;
	v38 =	vshll.u32 v38, $0x4;
	v36 =	vcvt.f32.s32 v36;
	v18 =	vld [tilespmem:s13+$0xC020]  }
0x1de: {  	v21 =	vadd.s32 v2, v21;
	[tilespmem:v34+s22+$0x0] =	vst.idx.add.f32.msk vm1, v29;
	v34 =	vtrunc.f32 v35;
	v35 =	vor.u32 v0, v38  }
0x1df: {  	v41 =	vmul.f32 $4.000000000e+01, v41;
	vm6 =	vgt.s32 v36, $0x0;
	v38 =	vadd.s32 v2, v38;
	v42 =	vld [tilespmem:s13+$0xC050]  }
0x1e0: {  	v40 =	vcvt.f32.s32 v40;
	v29 =	vmin.u32 v17, $0x13;
	v36 =	vnsel vm6, $0x0, v36;
	v17 =	vld [tilespmem:s13+$0xC0F0]  }
0x1e1: {  	v34 =	vcvt.f32.s32 v34;
	v43 =	vadd.f32 $-5.000000000e-01, v26;
	[tilespmem:v39+s22+$0x0] =	vst.idx.add.f32.msk vm2, v31;
	v31 =	vtrunc.f32 v41  }
0x1e2: {  	vm6 =	vgt.s32 v40, $0x0;
	[tilespmem:v1+s22+$0x0] =	vst.idx.add.f32.msk vm1, v37;
	v1 =	vcvt.f32.s32 v31;
	vm1 =	vgt.f32 v4, $5.000000000e-01  }
0x1e3: {  	v32 =	vtrunc.f32 v32;
	v31 =	vmul.f32 $4.000000000e+01, v43;
	[tilespmem:v35+s22+$0x0] =	vst.idx.add.f32.msk vm5, v28;
	v28 =	vnsel vm6, $0x0, v40  }
0x1e4: {  	v32 =	vcvt.f32.s32 v32;
	[tilespmem:v38+s22+$0x0] =	vst.idx.add.f32.msk vm5, v42;
	vm5 =	vgt.s32 v1, $0x0;
	v28 =	vmin.u32 v28, $0x13  }
0x1e5: {  	v31 =	vtrunc.f32 v31;
	[tilespmem:v21+s22+$0x0] =	vst.idx.add.f32.msk vm2, v33;
	v1 =	vnsel vm5, $0x0, v1;
	v28 =	vshll.u32 v28, $0x4  }
0x1e6: {  	v33 =	vcvt.f32.s32 v31;
	v21 =	vld [tilespmem:s13+$0x40A0];
	v1 =	vmin.u32 v1, $0x13;
	v37 =	vor.u32 v0, v28  }
0x1e7: {  	vm2 =	vgt.s32 v32, $0x0;
	v39 =	vadd.s32 v2, v28;
	v1 =	vshll.u32 v1, $0x4;
	v38 =	vld [tilespmem:s13+$0xC0E0]  }
0x1e8: {  	v28 =	vnsel vm2, $0x0, v32;
	v31 =	vld [tilespmem:s13+$0xC040];
	v40 =	vor.u32 v0, v1;
	v1 =	vadd.s32 v2, v1  }
0x1e9: {  	v41 =	vor.u32 v0, v30;
	vm2 =	vgt.s32 v33, $0x0;
	v28 =	vmin.u32 v28, $0x13;
	v32 =	vld [tilespmem:s13+$0xC0D0]  }
0x1ea: {  	vm5 =	vgt.f32 v26, $5.000000000e-01;
	v33 =	vnsel vm2, $0x0, v33;
	v28 =	vshll.u32 v28, $0x4;
	v35 =	vld [tilespmem:s13+$0xC0C0]  }
.Ltmp2:
0x1eb: {  	v36 =	vmin.u32 v36, $0x13;
	vm2 =	vgt.s32 v34, $0x0;
	v33 =	vmin.u32 v33, $0x13;
	[tilespmem:v37+s22+$0x0] =	vst.idx.add.f32.msk vm4, v23;
	(pc) =	sbr.rel @p0 .LBB2_6-.Ltmp2, $4  }
0x1ec: {  	v42 =	vshll.u32 v36, $0x4;
	v33 =	vshll.u32 v33, $0x4;
	v23 =	vnsel vm2, $0x0, v34;
	[tilespmem:v39+s22+$0x0] =	vst.idx.add.f32.msk vm4, v38  }
0x1ed: {  	v37 =	vor.u32 v0, v33;
	v36 =	vadd.s32 v2, v33;
	v23 =	vmin.u32 v23, $0x13;
	[tilespmem:v40+s22+$0x0] =	vst.idx.add.f32.msk vm3, v25  }
0x1ee: {  	v34 =	vor.u32 v0, v42;
	v38 =	vadd.s32 v2, v30;
	v25 =	vshll.u32 v23, $0x4;
	[tilespmem:v1+s22+$0x0] =	vst.idx.add.f32.msk vm3, v32  }
0x1ef: {  	s15 =	sadd.s32 $0x400, s15;
	vm2 =	vgt.f32 v11, $5.000000000e-01;
	v30 =	vor.u32 v0, v25;
	v32 =	vadd.s32 v2, v42;
	[tilespmem:v41+s22+$0x0] =	vst.idx.add.f32.msk vm0, v24  }
0x1f0: {  	v1 =	vmul.f32 $4.000000000e+01, v27  }
0x1f1: {  	v23 =	vshll.u32 v29, $0x4;
	v24 =	vor.u32 v0, v28  }
0x1f2: {  	vm3 =	vgt.f32 v8, $5.000000000e-01;
	v27 =	vld [tilespmem:s13+$0xC030];
	vm6 =	vgt.f32 v6, $5.000000000e-01;
	v1 =	vtrunc.f32 v1  }
0x1f3: {  	v20 =	vshll.u32 v20, $0x4;
	v22 =	vmul.f32 $4.000000000e+01, v22;
	v1 =	vcvt.f32.s32 v1  }
0x1f4: {  	vm4 =	vgt.f32 v13, $5.000000000e-01;
	v44 =	vadd.f32 $-5.000000000e-01, v21;
	v33 =	vor.u32 v0, v20  }
0x1f5: {  	[tilespmem:v38+s22+$0x0] =	vst.idx.add.f32.msk vm0, v35;
	v15 =	vmul.f32 $4.000000000e+01, v15;
	vm0 =	vgt.f32 v14, $5.000000000e-01;
	vm7 =	vgt.s32 v1, $0x0  }
0x1f6: {  	[tilespmem:v37+s22+$0x0] =	vst.idx.add.f32.msk vm5, v26;
	v20 =	vadd.s32 v2, v20;
	v22 =	vtrunc.f32 v22;
	v1 =	vnsel vm7, $0x0, v1  }
0x1f7: {  	v29 =	vor.u32 v0, v23;
	v22 =	vcvt.f32.s32 v22;
	[tilespmem:v36+s22+$0x0] =	vst.idx.add.f32.msk vm5, v27;
	v1 =	vmin.u32 v1, $0x13  }
0x1f8: {  	v23 =	vadd.s32 v2, v23;
	v26 =	vmul.f32 $4.000000000e+01, v44;
	[tilespmem:v24+s22+$0x0] =	vst.idx.add.f32.msk vm1, v4;
	v1 =	vshll.u32 v1, $0x4  }
0x1f9: {  	v15 =	vtrunc.f32 v15;
	vm5 =	vgt.s32 v22, $0x0;
	[tilespmem:v33+s22+$0x0] =	vst.idx.add.f32.msk vm6, v6;
	v6 =	vor.u32 v0, v1  }
0x1fa: {  	v15 =	vcvt.f32.s32 v15;
	v22 =	vnsel vm5, $0x0, v22;
	[tilespmem:v34+s22+$0x0] =	vst.idx.add.f32.msk vm4, v13;
	vm5 =	vgt.f32 v7, $5.000000000e-01  }
0x1fb: {  	[tilespmem:v20+s22+$0x0] =	vst.idx.add.f32.msk vm6, v31;
	v20 =	vtrunc.f32 v26;
	v22 =	vmin.u32 v22, $0x13;
	v1 =	vadd.s32 v2, v1  }
0x1fc: {  	[tilespmem:v29+s22+$0x0] =	vst.idx.add.f32.msk vm3, v8;
	vm6 =	vgt.s32 v15, $0x0;
	v4 =	vshll.u32 v22, $0x4;
	v13 =	vcvt.f32.s32 v20  }
0x1fd: {  	[tilespmem:v23+s22+$0x0] =	vst.idx.add.f32.msk vm3, v16;
	vm3 =	vgt.f32 v3, $5.000000000e-01;
	v8 =	vnsel vm6, $0x0, v15;
	v20 =	vor.u32 v0, v4  }
0x1fe: {  	v4 =	vadd.s32 v2, v4;
	vm6 =	vgt.s32 v13, $0x0;
	[tilespmem:v6+s22+$0x0] =	vst.idx.add.f32.msk vm0, v14;
	v6 =	vmin.u32 v8, $0x13  }
0x1ff: {  	[tilespmem:v30+s22+$0x0] =	vst.idx.add.f32.msk vm2, v11;
	v8 =	vnsel vm6, $0x0, v13;
	v13 =	vadd.s32 v2, v28;
	v6 =	vshll.u32 v6, $0x4  }
0x200: {  	[tilespmem:v1+s22+$0x0] =	vst.idx.add.f32.msk vm0, v19;
	v8 =	vmin.u32 v8, $0x13;
	v1 =	vor.u32 v0, v6  }
0x201: {  	[tilespmem:v32+s22+$0x0] =	vst.idx.add.f32.msk vm4, v18;
	vm0 =	vgt.f32 v21, $5.000000000e-01;
	v6 =	vadd.s32 v2, v6;
	v8 =	vshll.u32 v8, $0x4  }
0x202: {  	[tilespmem:v20+s22+$0x0] =	vst.idx.add.f32.msk vm5, v7;
	v7 =	vor.u32 v0, v8  }
0x203: {  	[tilespmem:v4+s22+$0x0] =	vst.idx.add.f32.msk vm5, v10;
	v4 =	vadd.s32 v2, v8;
	v8 =	vadd.s32 v2, v25  }
0x204: {  	[tilespmem:v13+s22+$0x0] =	vst.idx.add.f32.msk vm1, v17  }
0x205: {  	[tilespmem:v1+s22+$0x0] =	vst.idx.add.f32.msk vm3, v3  }
0x206: {  	[tilespmem:v6+s22+$0x0] =	vst.idx.add.f32.msk vm3, v12  }
0x207: {  	[tilespmem:v7+s22+$0x0] =	vst.idx.add.f32.msk vm0, v21  }
0x208: {  	[tilespmem:v8+s22+$0x0] =	vst.idx.add.f32.msk vm2, v9  }
0x209: {  	[tilespmem:v4+s22+$0x0] =	vst.idx.add.f32.msk vm0, v5  }
0x20a: {  	_ =	swait.ge [sflag:s28], $0x2000  }
0x20b: {  	[sflag:s28] =	ssyncset.done $0x0  }
0x20c: {  	[sflag:s28] =	ssyncadd.s32 $0xFFFFE000  }
0x20d: {  	_ =	swait.ge [sflag:s29], $0x2000  }
0x20e: {  	[sflag:s29] =	ssyncset.done $0x0  }
0x20f: {  	s13 =	simm.s32 $0x0;
	[sflag:s29] =	ssyncadd.s32 $0xFFFFE000  }
0x210: {  	v23 =	vld [tilespmem:s13+$0x60C0]  }
0x211: {  	v6 =	vld [tilespmem:s13+$0x6040]  }
0x212: {  	v1 =	vld [tilespmem:s13+$0x6000]  }
0x213: {  	v25 =	vld [tilespmem:s13+$0x60E0]  }
0x214: {  	v13 =	vld [tilespmem:s13+$0x6020]  }
0x215: {  	v24 =	vld [tilespmem:s13+$0x60D0];
	_ =	sdelay $0x1  }
0x216: {  	v3 =	vadd.f32 $-5.000000000e-01, v23  }
0x217: {  	v5 =	vadd.f32 $-5.000000000e-01, v6;
	v7 =	vadd.f32 $-5.000000000e-01, v1  }
0x218: {  	v4 =	vld [tilespmem:s13+$0x60F0];
	v17 =	vadd.f32 $-5.000000000e-01, v25;
	v26 =	vadd.f32 $-5.000000000e-01, v13;
	v3 =	vmul.f32 $4.000000000e+01, v3  }
0x219: {  	v21 =	vld [tilespmem:s13+$0x6080];
	v41 =	vadd.f32 $-5.000000000e-01, v24;
	v5 =	vmul.f32 $4.000000000e+01, v5;
	v11 =	vmul.f32 $4.000000000e+01, v7  }
0x21a: {  	vm0 =	vgt.f32 v23, $5.000000000e-01;
	v17 =	vmul.f32 $4.000000000e+01, v17;
	v48 =	vmul.f32 $4.000000000e+01, v26  }
0x21b: {  	vm2 =	vgt.f32 v24, $5.000000000e-01;
	v7 =	vld [tilespmem:s13+$0x6070];
	v41 =	vmul.f32 $4.000000000e+01, v41;
	v8 =	vtrunc.f32 v3  }
0x21c: {  	vm3 =	vgt.f32 v25, $5.000000000e-01;
	v26 =	vld [tilespmem:s13+$0x6030];
	v3 =	vtrunc.f32 v5;
	v17 =	vtrunc.f32 v17  }
0x21d: {  	v28 =	vld [tilespmem:s13+$0x6050];
	v5 =	vadd.f32 $-5.000000000e-01, v4;
	v36 =	vtrunc.f32 v48;
	v9 =	vcvt.f32.s32 v3  }
0x21e: {  	v12 =	vadd.f32 $-5.000000000e-01, v21;
	v10 =	vcvt.f32.s32 v8;
	v36 =	vcvt.f32.s32 v36  }
0x21f: {  	vm5 =	vgt.f32 v21, $5.000000000e-01;
	v53 =	vcvt.f32.s32 v17;
	v30 =	vmul.f32 $4.000000000e+01, v5  }
0x220: {  	v8 =	vld [tilespmem:s13+$0x6060];
	vm1 =	vgt.s32 v9, $0x0;
	vm4 =	vgt.s32 v10, $0x0;
	v22 =	vadd.f32 $-5.000000000e-01, v7  }
0x221: {  	v3 =	vld [tilespmem:s13+$0x60B0];
	v43 =	vadd.f32 $-5.000000000e-01, v26;
	v5 =	vnsel vm1, $0x0, v9;
	v9 =	vnsel vm4, $0x0, v10  }
0x222: {  	vm4 =	vgt.f32 v28, $5.000000000e-01;
	v10 =	vmul.f32 $4.000000000e+01, v12;
	v12 =	vadd.f32 $-5.000000000e-01, v28  }
0x223: {  	v45 =	vld [tilespmem:s13+$0xE080];
	v30 =	vtrunc.f32 v30;
	v9 =	vmin.u32 v9, $0x13;
	v20 =	vmin.u32 v5, $0x13  }
0x224: {  	v49 =	vld [tilespmem:s13+$0xE000];
	v30 =	vcvt.f32.s32 v30;
	v32 =	vshll.u32 v9, $0x4;
	v9 =	vtrunc.f32 v11  }
0x225: {  	v42 =	vld [tilespmem:s13+$0xE050];
	v5 =	vtrunc.f32 v10;
	v10 =	vmul.f32 $4.000000000e+01, v12;
	v11 =	vadd.f32 $-5.000000000e-01, v8  }
0x226: {  	v58 =	vld [tilespmem:s13+$0xE0E0];
	v15 =	vadd.f32 $-5.000000000e-01, v3;
	v12 =	vcvt.f32.s32 v5;
	v9 =	vcvt.f32.s32 v9  }
0x227: {  	v35 =	vld [tilespmem:s13+$0xE0C0];
	v62 =	vor.u32 v0, v32;
	v14 =	vtrunc.f32 v10;
	v16 =	vmul.f32 $4.000000000e+01, v11  }
0x228: {  	v17 =	vld [tilespmem:s13+$0xE0F0];
	vm1 =	vgt.s32 v12, $0x0;
	vm6 =	vgt.s32 v9, $0x0;
	v18 =	vcvt.f32.s32 v14  }
0x229: {  	v5 =	vld [tilespmem:s13+$0xE0A0];
	v12 =	vnsel vm1, $0x0, v12;
	v9 =	vnsel vm6, $0x0, v9;
	v16 =	vtrunc.f32 v16  }
0x22a: {  	v11 =	vld [tilespmem:s13+$0x6010];
	vm1 =	vgt.f32 v1, $5.000000000e-01;
	v19 =	vcvt.f32.s32 v16;
	v16 =	vmin.u32 v9, $0x13  }
0x22b: {  	v14 =	vld [tilespmem:s13+$0x6090];
	v12 =	vmin.u32 v12, $0x13;
	vm6 =	vgt.s32 v18, $0x0;
	v31 =	vshll.u32 v16, $0x4  }
0x22c: {  	v10 =	vld [tilespmem:s13+$0xE070];
	v29 =	vshll.u32 v12, $0x4;
	v18 =	vnsel vm6, $0x0, v18;
	v46 =	vor.u32 v0, v31  }
0x22d: {  	v9 =	vld [tilespmem:s13+$0xE010];
	vm6 =	vgt.s32 v19, $0x0;
	v50 =	vmin.u32 v18, $0x13;
	v39 =	vor.u32 v0, v29  }
0x22e: {  	v12 =	vld [tilespmem:s13+$0xE0B0];
	v31 =	vadd.s32 v2, v31;
	v52 =	vadd.s32 v2, v29;
	v38 =	vshll.u32 v50, $0x4  }
0x22f: {  	v16 =	vld [tilespmem:s13+$0xE060];
	v47 =	vnsel vm6, $0x0, v19;
	v19 =	vadd.f32 $-5.000000000e-01, v11;
	v51 =	vor.u32 v0, v38  }
0x230: {  	[tilespmem:v62+s22+$0x0] =	vst.idx.add.f32.msk vm0, v23;
	v27 =	vadd.f32 $-5.000000000e-01, v14;
	vm6 =	vgt.s32 v36, $0x0;
	v38 =	vadd.s32 v2, v38  }
0x231: {  	v36 =	vnsel vm6, $0x0, v36;
	v29 =	vmin.u32 v47, $0x13;
	v40 =	vmul.f32 $4.000000000e+01, v19;
	[tilespmem:v46+s22+$0x0] =	vst.idx.add.f32.msk vm1, v1  }
0x232: {  	vm6 =	vgt.s32 v53, $0x0;
	v36 =	vmin.u32 v36, $0x13;
	[tilespmem:v39+s22+$0x0] =	vst.idx.add.f32.msk vm5, v21;
	v21 =	vtrunc.f32 v41  }
0x233: {  	v63 =	vshll.u32 v36, $0x4;
	v1 =	vtrunc.f32 v40;
	[tilespmem:v31+s22+$0x0] =	vst.idx.add.f32.msk vm1, v49;
	v21 =	vcvt.f32.s32 v21  }
0x234: {  	v1 =	vcvt.f32.s32 v1;
	v31 =	vmul.f32 $4.000000000e+01, v43;
	[tilespmem:v51+s22+$0x0] =	vst.idx.add.f32.msk vm4, v28;
	v28 =	vnsel vm6, $0x0, v53  }
0x235: {  	vm1 =	vgt.f32 v4, $5.000000000e-01;
	[tilespmem:v38+s22+$0x0] =	vst.idx.add.f32.msk vm4, v42;
	vm4 =	vgt.s32 v21, $0x0;
	v28 =	vmin.u32 v28, $0x13  }
0x236: {  	v18 =	vld [tilespmem:s13+$0xE020];
	v31 =	vtrunc.f32 v31;
	v54 =	vnsel vm4, $0x0, v21;
	v28 =	vshll.u32 v28, $0x4  }
0x237: {  	v19 =	vld [tilespmem:s13+$0xE090];
	v55 =	vcvt.f32.s32 v31;
	v31 =	vmin.u32 v54, $0x13;
	v56 =	vor.u32 v0, v28  }
0x238: {  	[tilespmem:v52+s22+$0x0] =	vst.idx.add.f32.msk vm5, v45;
	vm5 =	vgt.f32 v26, $5.000000000e-01;
	v59 =	vadd.s32 v2, v28;
	v57 =	vshll.u32 v31, $0x4  }
0x239: {  	v38 =	vadd.s32 v2, v32;
	v21 =	vld [tilespmem:s13+$0x60A0];
	vm4 =	vgt.s32 v30, $0x0;
	v60 =	vor.u32 v0, v57  }
0x23a: {  	v28 =	vnsel vm4, $0x0, v30;
	v30 =	vld [tilespmem:s13+$0xE0D0];
	vm4 =	vgt.s32 v55, $0x0;
	v61 =	vadd.s32 v2, v57  }
0x23b: {  	v32 =	vadd.s32 v2, v63;
	v31 =	vld [tilespmem:s13+$0xE040];
	v34 =	vnsel vm4, $0x0, v55;
	vm4 =	vgt.s32 v1, $0x0  }
0x23c: {  	v28 =	vmin.u32 v28, $0x13;
	v34 =	vmin.u32 v34, $0x13;
	v1 =	vnsel vm4, $0x0, v1;
	[tilespmem:v56+s22+$0x0] =	vst.idx.add.f32.msk vm3, v25  }
0x23d: {  	v28 =	vshll.u32 v28, $0x4;
	v1 =	vmin.u32 v1, $0x13;
	v25 =	vshll.u32 v34, $0x4;
	[tilespmem:v59+s22+$0x0] =	vst.idx.add.f32.msk vm3, v58  }
0x23e: {  	v37 =	vor.u32 v0, v25;
	v36 =	vadd.s32 v2, v25;
	v25 =	vshll.u32 v1, $0x4;
	[tilespmem:v60+s22+$0x0] =	vst.idx.add.f32.msk vm2, v24  }
0x23f: {  	s14 =	simm.s32 $0x600;
	s15 =	simm.s32 $0x400;
	v34 =	vor.u32 v0, v63;
	[tilespmem:v61+s22+$0x0] =	vst.idx.add.f32.msk vm2, v30;
	vm2 =	vgt.f32 v11, $5.000000000e-01;
	v30 =	vor.u32 v0, v25  }
.LBB2_8:
0x240: {  	s14 =	sadd.s32 $0x10, s14;
	v33 =	vadd.s32 v2, v25;
	v1 =	vld [tilespmem:s13+$0xE030];
	s13 =	sshra.s32 s15, $0x2;
	v23 =	vshll.u32 v29, $0x4;
	v39 =	vor.u32 v0, v28  }
0x241: {  	vm4 =	vgt.f32 v8, $5.000000000e-01;
	v40 =	vld [tilespmem:s13+$0x60F0];
	p0 =	slt.u32 s14, $0x7F0;
	v41 =	vor.u32 v0, v23;
	v42 =	vadd.s32 v2, v23  }
0x242: {  	v22 =	vmul.f32 $4.000000000e+01, v22;
	v24 =	vmul.f32 $4.000000000e+01, v27;
	v27 =	vadd.s32 v2, v28;
	v23 =	vld [tilespmem:s13+$0x60E0]  }
0x243: {  	vm3 =	vgt.f32 v13, $5.000000000e-01;
	vm6 =	vgt.f32 v6, $5.000000000e-01;
	v25 =	vadd.f32 $-5.000000000e-01, v21;
	[tilespmem:v38+s22+$0x0] =	vst.idx.add.f32.msk vm0, v35  }
0x244: {  	v20 =	vshll.u32 v20, $0x4;
	v22 =	vtrunc.f32 v22;
	v24 =	vtrunc.f32 v24;
	[tilespmem:v37+s22+$0x0] =	vst.idx.add.f32.msk vm5, v26  }
0x245: {  	v25 =	vmul.f32 $4.000000000e+01, v25;
	v35 =	vcvt.f32.s32 v24;
	v26 =	vor.u32 v0, v20;
	v29 =	vld [tilespmem:s13+$0x6000]  }
0x246: {  	[tilespmem:v36+s22+$0x0] =	vst.idx.add.f32.msk vm5, v1;
	v1 =	vadd.s32 v2, v20;
	v20 =	vcvt.f32.s32 v22  }
0x247: {  	v15 =	vmul.f32 $4.000000000e+01, v15;
	v22 =	vtrunc.f32 v25;
	v24 =	vld [tilespmem:s13+$0x60C0]  }
0x248: {  	vm5 =	vgt.s32 v35, $0x0;
	v22 =	vcvt.f32.s32 v22;
	v28 =	vld [tilespmem:s13+$0x6050];
	vm0 =	vgt.s32 v20, $0x0  }
0x249: {  	v35 =	vnsel vm5, $0x0, v35;
	v25 =	vld [tilespmem:s13+$0x60D0];
	v20 =	vnsel vm0, $0x0, v20  }
0x24a: {  	vm0 =	vgt.s32 v22, $0x0;
	[tilespmem:v26+s22+$0x0] =	vst.idx.add.f32.msk vm6, v6;
	v6 =	vmin.u32 v20, $0x13;
	v20 =	vmin.u32 v35, $0x13  }
0x24b: {  	[tilespmem:v1+s22+$0x0] =	vst.idx.add.f32.msk vm6, v31;
	vm6 =	vgt.f32 v14, $5.000000000e-01;
	v1 =	vshll.u32 v20, $0x4;
	v20 =	vnsel vm0, $0x0, v22  }
0x24c: {  	v22 =	vshll.u32 v6, $0x4;
	v6 =	vtrunc.f32 v15;
	v31 =	vld [tilespmem:s13+$0x6080];
	v26 =	vor.u32 v0, v1  }
0x24d: {  	v1 =	vadd.s32 v2, v1;
	v15 =	vmin.u32 v20, $0x13;
	v20 =	vcvt.f32.s32 v6;
	[tilespmem:v39+s22+$0x0] =	vst.idx.add.f32.msk vm1, v4;
	v4 =	vmovc v40  }
0x24e: {  	v35 =	vor.u32 v0, v22;
	v15 =	vshll.u32 v15, $0x4;
	v6 =	vld [tilespmem:s13+$0x6040]  }
0x24f: {  	vm7 =	vgt.f32 v7, $5.000000000e-01;
	vm0 =	vgt.s32 v20, $0x0;
	[tilespmem:v34+s22+$0x0] =	vst.idx.add.f32.msk vm3, v13;
	v13 =	vadd.s32 v2, v22  }
0x250: {  	v22 =	vor.u32 v0, v15;
	[tilespmem:v41+s22+$0x0] =	vst.idx.add.f32.msk vm4, v8;
	v8 =	vnsel vm0, $0x0, v20  }
0x251: {  	[tilespmem:v26+s22+$0x0] =	vst.idx.add.f32.msk vm6, v14;
	v8 =	vmin.u32 v8, $0x13  }
0x252: {  	vm5 =	vgt.f32 v3, $5.000000000e-01;
	v14 =	vadd.f32 $-5.000000000e-01, v24;
	[tilespmem:v42+s22+$0x0] =	vst.idx.add.f32.msk vm4, v16;
	v8 =	vshll.u32 v8, $0x4  }
0x253: {  	vm0 =	vgt.f32 v24, $5.000000000e-01;
	[tilespmem:v1+s22+$0x0] =	vst.idx.add.f32.msk vm6, v19;
	v1 =	vor.u32 v0, v8  }
0x254: {  	v16 =	vadd.f32 $-5.000000000e-01, v6;
	v14 =	vmul.f32 $4.000000000e+01, v14;
	[tilespmem:v32+s22+$0x0] =	vst.idx.add.f32.msk vm3, v18;
	v18 =	vadd.s32 v2, v8  }
0x255: {  	vm3 =	vgt.f32 v25, $5.000000000e-01;
	[tilespmem:v35+s22+$0x0] =	vst.idx.add.f32.msk vm7, v7  }
0x256: {  	v7 =	vmul.f32 $4.000000000e+01, v16;
	v16 =	vadd.f32 $-5.000000000e-01, v4;
	[tilespmem:v13+s22+$0x0] =	vst.idx.add.f32.msk vm7, v10  }
0x257: {  	vm4 =	vgt.f32 v23, $5.000000000e-01;
	v8 =	vadd.f32 $-5.000000000e-01, v29;
	v10 =	vtrunc.f32 v14;
	[tilespmem:v30+s22+$0x0] =	vst.idx.add.f32.msk vm2, v11  }
0x258: {  	v19 =	vadd.f32 $-5.000000000e-01, v23;
	vm6 =	vgt.f32 v21, $5.000000000e-01;
	v7 =	vtrunc.f32 v7;
	[tilespmem:v1+s22+$0x0] =	vst.idx.add.f32.msk vm5, v3  }
0x259: {  	v1 =	vmul.f32 $4.000000000e+01, v8;
	v7 =	vcvt.f32.s32 v7;
	v3 =	vld [tilespmem:s13+$0x60B0]  }
0x25a: {  	v10 =	vcvt.f32.s32 v10;
	v11 =	vadd.s32 v2, v15;
	v8 =	vld [tilespmem:s13+$0x6060]  }
0x25b: {  	v32 =	vmul.f32 $4.000000000e+01, v16;
	vm7 =	vgt.s32 v7, $0x0;
	[tilespmem:v18+s22+$0x0] =	vst.idx.add.f32.msk vm5, v12  }
0x25c: {  	v12 =	vadd.f32 $-5.000000000e-01, v31;
	vm5 =	vgt.s32 v10, $0x0;
	[tilespmem:v27+s22+$0x0] =	vst.idx.add.f32.msk vm1, v17  }
0x25d: {  	v13 =	vnsel vm7, $0x0, v7;
	v10 =	vnsel vm5, $0x0, v10;
	v7 =	vld [tilespmem:s13+$0x6070]  }
0x25e: {  	vm5 =	vgt.f32 v28, $5.000000000e-01;
	v12 =	vmul.f32 $4.000000000e+01, v12;
	v10 =	vmin.u32 v10, $0x13;
	[tilespmem:v22+s22+$0x0] =	vst.idx.add.f32.msk vm6, v21  }
0x25f: {  	v14 =	vadd.f32 $-5.000000000e-01, v28;
	v15 =	vadd.f32 $-5.000000000e-01, v3;
	v30 =	vshll.u32 v10, $0x4;
	[tilespmem:v11+s22+$0x0] =	vst.idx.add.f32.msk vm6, v5  }
0x260: {  	v1 =	vtrunc.f32 v1;
	v20 =	vmin.u32 v13, $0x13;
	v5 =	vtrunc.f32 v12;
	[tilespmem:v33+s22+$0x0] =	vst.idx.add.f32.msk vm2, v9  }
0x261: {  	v10 =	vadd.f32 $-5.000000000e-01, v8;
	v9 =	vmul.f32 $4.000000000e+01, v14;
	v12 =	vcvt.f32.s32 v5;
	v5 =	vld [tilespmem:s13+$0xE0A0]  }
0x262: {  	v1 =	vcvt.f32.s32 v1;
	vm2 =	vgt.f32 v31, $5.000000000e-01;
	v13 =	vld [tilespmem:s13+$0x6020];
	v22 =	vadd.f32 $-5.000000000e-01, v7  }
0x263: {  	v14 =	vmul.f32 $4.000000000e+01, v10;
	v9 =	vtrunc.f32 v9;
	vm1 =	vgt.s32 v12, $0x0;
	v10 =	vld [tilespmem:s13+$0xE070]  }
0x264: {  	vm6 =	vgt.s32 v1, $0x0;
	v16 =	vcvt.f32.s32 v9;
	v9 =	vnsel vm1, $0x0, v12;
	v11 =	vld [tilespmem:s13+$0x6010]  }
0x265: {  	v1 =	vnsel vm6, $0x0, v1;
	v12 =	vtrunc.f32 v14;
	v9 =	vmin.u32 v9, $0x13;
	v14 =	vld [tilespmem:s13+$0x6090]  }
0x266: {  	v17 =	vcvt.f32.s32 v12;
	vm6 =	vgt.s32 v16, $0x0;
	v21 =	vshll.u32 v9, $0x4;
	v12 =	vld [tilespmem:s13+$0xE0B0]  }
0x267: {  	v1 =	vmin.u32 v1, $0x13;
	vm1 =	vgt.f32 v29, $5.000000000e-01;
	v18 =	vnsel vm6, $0x0, v16;
	v9 =	vld [tilespmem:s13+$0xE010]  }
0x268: {  	v1 =	vshll.u32 v1, $0x4;
	vm6 =	vgt.s32 v17, $0x0;
	v26 =	vadd.f32 $-5.000000000e-01, v13;
	v33 =	vld [tilespmem:s13+$0xE080]  }
0x269: {  	v19 =	vmul.f32 $4.000000000e+01, v19;
	v34 =	vor.u32 v0, v1;
	v17 =	vnsel vm6, $0x0, v17;
	v16 =	vld [tilespmem:s13+$0xE060]  }
0x26a: {  	v35 =	vadd.f32 $-5.000000000e-01, v11;
	v36 =	vmul.f32 $4.000000000e+01, v26;
	v26 =	vld [tilespmem:s13+$0x6030];
	v27 =	vadd.f32 $-5.000000000e-01, v14  }
0x26b: {  	v40 =	vtrunc.f32 v19;
	v39 =	vor.u32 v0, v21;
	v38 =	vmin.u32 v18, $0x13;
	v37 =	vld [tilespmem:s13+$0xE000]  }
0x26c: {  	v1 =	vadd.s32 v2, v1;
	v35 =	vmul.f32 $4.000000000e+01, v35;
	v36 =	vtrunc.f32 v36;
	v19 =	vld [tilespmem:s13+$0xE090]  }
0x26d: {  	v41 =	vadd.f32 $-5.000000000e-01, v25;
	v38 =	vshll.u32 v38, $0x4;
	v36 =	vcvt.f32.s32 v36;
	v18 =	vld [tilespmem:s13+$0xE020]  }
0x26e: {  	v21 =	vadd.s32 v2, v21;
	[tilespmem:v34+s22+$0x0] =	vst.idx.add.f32.msk vm1, v29;
	v34 =	vtrunc.f32 v35;
	v35 =	vor.u32 v0, v38  }
0x26f: {  	v41 =	vmul.f32 $4.000000000e+01, v41;
	vm6 =	vgt.s32 v36, $0x0;
	v38 =	vadd.s32 v2, v38;
	v42 =	vld [tilespmem:s13+$0xE050]  }
0x270: {  	v40 =	vcvt.f32.s32 v40;
	v29 =	vmin.u32 v17, $0x13;
	v36 =	vnsel vm6, $0x0, v36;
	v17 =	vld [tilespmem:s13+$0xE0F0]  }
0x271: {  	v34 =	vcvt.f32.s32 v34;
	v43 =	vadd.f32 $-5.000000000e-01, v26;
	[tilespmem:v39+s22+$0x0] =	vst.idx.add.f32.msk vm2, v31;
	v31 =	vtrunc.f32 v41  }
0x272: {  	vm6 =	vgt.s32 v40, $0x0;
	[tilespmem:v1+s22+$0x0] =	vst.idx.add.f32.msk vm1, v37;
	v1 =	vcvt.f32.s32 v31;
	vm1 =	vgt.f32 v4, $5.000000000e-01  }
0x273: {  	v32 =	vtrunc.f32 v32;
	v31 =	vmul.f32 $4.000000000e+01, v43;
	[tilespmem:v35+s22+$0x0] =	vst.idx.add.f32.msk vm5, v28;
	v28 =	vnsel vm6, $0x0, v40  }
0x274: {  	v32 =	vcvt.f32.s32 v32;
	[tilespmem:v38+s22+$0x0] =	vst.idx.add.f32.msk vm5, v42;
	vm5 =	vgt.s32 v1, $0x0;
	v28 =	vmin.u32 v28, $0x13  }
0x275: {  	v31 =	vtrunc.f32 v31;
	[tilespmem:v21+s22+$0x0] =	vst.idx.add.f32.msk vm2, v33;
	v1 =	vnsel vm5, $0x0, v1;
	v28 =	vshll.u32 v28, $0x4  }
0x276: {  	v33 =	vcvt.f32.s32 v31;
	v21 =	vld [tilespmem:s13+$0x60A0];
	v1 =	vmin.u32 v1, $0x13;
	v37 =	vor.u32 v0, v28  }
0x277: {  	vm2 =	vgt.s32 v32, $0x0;
	v39 =	vadd.s32 v2, v28;
	v1 =	vshll.u32 v1, $0x4;
	v38 =	vld [tilespmem:s13+$0xE0E0]  }
0x278: {  	v28 =	vnsel vm2, $0x0, v32;
	v31 =	vld [tilespmem:s13+$0xE040];
	v40 =	vor.u32 v0, v1;
	v1 =	vadd.s32 v2, v1  }
0x279: {  	v41 =	vor.u32 v0, v30;
	vm2 =	vgt.s32 v33, $0x0;
	v28 =	vmin.u32 v28, $0x13;
	v32 =	vld [tilespmem:s13+$0xE0D0]  }
0x27a: {  	vm5 =	vgt.f32 v26, $5.000000000e-01;
	v33 =	vnsel vm2, $0x0, v33;
	v28 =	vshll.u32 v28, $0x4;
	v35 =	vld [tilespmem:s13+$0xE0C0]  }
.Ltmp3:
0x27b: {  	v36 =	vmin.u32 v36, $0x13;
	vm2 =	vgt.s32 v34, $0x0;
	v33 =	vmin.u32 v33, $0x13;
	[tilespmem:v37+s22+$0x0] =	vst.idx.add.f32.msk vm4, v23;
	(pc) =	sbr.rel @p0 .LBB2_8-.Ltmp3, $4  }
0x27c: {  	v42 =	vshll.u32 v36, $0x4;
	v33 =	vshll.u32 v33, $0x4;
	v23 =	vnsel vm2, $0x0, v34;
	[tilespmem:v39+s22+$0x0] =	vst.idx.add.f32.msk vm4, v38  }
0x27d: {  	v37 =	vor.u32 v0, v33;
	v36 =	vadd.s32 v2, v33;
	v23 =	vmin.u32 v23, $0x13;
	[tilespmem:v40+s22+$0x0] =	vst.idx.add.f32.msk vm3, v25  }
0x27e: {  	v34 =	vor.u32 v0, v42;
	v38 =	vadd.s32 v2, v30;
	v25 =	vshll.u32 v23, $0x4;
	[tilespmem:v1+s22+$0x0] =	vst.idx.add.f32.msk vm3, v32  }
0x27f: {  	s15 =	sadd.s32 $0x400, s15;
	vm2 =	vgt.f32 v11, $5.000000000e-01;
	v30 =	vor.u32 v0, v25;
	v32 =	vadd.s32 v2, v42;
	[tilespmem:v41+s22+$0x0] =	vst.idx.add.f32.msk vm0, v24  }
0x280: {  	_ = 	snop  }
0x281: {  	v1 =	vmul.f32 $4.000000000e+01, v27  }
0x282: {  	v23 =	vshll.u32 v29, $0x4;
	v24 =	vor.u32 v0, v28;
	vm3 =	vgt.f32 v8, $5.000000000e-01  }
0x283: {  	v49 =	vld [tilespmem:s13+$0xE030];
	vm6 =	vgt.f32 v6, $5.000000000e-01;
	v20 =	vshll.u32 v20, $0x4;
	v22 =	vmul.f32 $4.000000000e+01, v22  }
0x284: {  	vm4 =	vgt.f32 v13, $5.000000000e-01;
	v50 =	vadd.f32 $-5.000000000e-01, v21;
	v15 =	vmul.f32 $4.000000000e+01, v15  }
0x285: {  	[tilespmem:v38+s22+$0x0] =	vst.idx.add.f32.msk vm0, v35;
	vm9 =	vgt.f32 v14, $5.000000000e-01;
	vm11 =	vgt.f32 v7, $5.000000000e-01;
	v63 =	vadd.s32 v2, v25  }
0x286: {  	[tilespmem:v37+s22+$0x0] =	vst.idx.add.f32.msk vm5, v26;
	v60 =	vadd.s32 v2, v28;
	v33 =	vor.u32 v0, v20;
	v1 =	vtrunc.f32 v1  }
0x287: {  	vm15 =	vgt.f32 v21, $5.000000000e-01;
	[tilespmem:v30+s22+$0x0] =	vst.idx.add.f32.msk vm2, v11;
	v29 =	vor.u32 v0, v23;
	v1 =	vcvt.f32.s32 v1  }
0x288: {  	v20 =	vadd.s32 v2, v20;
	v22 =	vtrunc.f32 v22;
	v51 =	vmul.f32 $4.000000000e+01, v50;
	[tilespmem:v36+s22+$0x0] =	vst.idx.add.f32.msk vm5, v49  }
0x289: {  	v23 =	vadd.s32 v2, v23;
	v22 =	vcvt.f32.s32 v22;
	vm7 =	vgt.s32 v1, $0x0;
	[tilespmem:v24+s22+$0x0] =	vst.idx.add.f32.msk vm1, v4  }
0x28a: {  	v15 =	vtrunc.f32 v15;
	v53 =	vtrunc.f32 v51;
	[tilespmem:v63+s22+$0x0] =	vst.idx.add.f32.msk vm2, v9;
	v1 =	vnsel vm7, $0x0, v1  }
0x28b: {  	vm10 =	vgt.s32 v22, $0x0;
	v55 =	vcvt.f32.s32 v53;
	[tilespmem:v33+s22+$0x0] =	vst.idx.add.f32.msk vm6, v6;
	v1 =	vmin.u32 v1, $0x13  }
0x28c: {  	v15 =	vcvt.f32.s32 v15;
	v22 =	vnsel vm10, $0x0, v22;
	[tilespmem:v34+s22+$0x0] =	vst.idx.add.f32.msk vm4, v13;
	v1 =	vshll.u32 v1, $0x4  }
0x28d: {  	[tilespmem:v29+s22+$0x0] =	vst.idx.add.f32.msk vm3, v8;
	v22 =	vmin.u32 v22, $0x13;
	vm13 =	vgt.s32 v55, $0x0;
	v52 =	vor.u32 v0, v1  }
0x28e: {  	[tilespmem:v60+s22+$0x0] =	vst.idx.add.f32.msk vm1, v17;
	v54 =	vshll.u32 v22, $0x4;
	v59 =	vnsel vm13, $0x0, v55;
	v1 =	vadd.s32 v2, v1  }
0x28f: {  	vm12 =	vgt.s32 v15, $0x0;
	[tilespmem:v20+s22+$0x0] =	vst.idx.add.f32.msk vm6, v31;
	v56 =	vor.u32 v0, v54;
	v8 =	vmin.u32 v59, $0x13  }
0x290: {  	v57 =	vnsel vm12, $0x0, v15;
	[tilespmem:v23+s22+$0x0] =	vst.idx.add.f32.msk vm3, v16;
	v4 =	vadd.s32 v2, v54;
	v8 =	vshll.u32 v8, $0x4  }
0x291: {  	v58 =	vmin.u32 v57, $0x13;
	[tilespmem:v32+s22+$0x0] =	vst.idx.add.f32.msk vm4, v18;
	v61 =	vor.u32 v0, v8  }
0x292: {  	vm14 =	vgt.f32 v3, $5.000000000e-01;
	v6 =	vshll.u32 v58, $0x4;
	v62 =	vadd.s32 v2, v8;
	[tilespmem:v52+s22+$0x0] =	vst.idx.add.f32.msk vm9, v14  }
0x293: {  	[tilespmem:v1+s22+$0x0] =	vst.idx.add.f32.msk vm9, v19;
	v1 =	vor.u32 v0, v6  }
0x294: {  	[tilespmem:v56+s22+$0x0] =	vst.idx.add.f32.msk vm11, v7;
	v6 =	vadd.s32 v2, v6  }
0x295: {  	[tilespmem:v4+s22+$0x0] =	vst.idx.add.f32.msk vm11, v10  }
0x296: {  	[tilespmem:v61+s22+$0x0] =	vst.idx.add.f32.msk vm15, v21  }
0x297: {  	s0 =	sadd.s32 $0x1, s0;
	[tilespmem:v62+s22+$0x0] =	vst.idx.add.f32.msk vm15, v5  }
0x298: {  	p0 =	sne.s32 s0, s12;
	[tilespmem:v1+s22+$0x0] =	vst.idx.add.f32.msk vm14, v3  }
.Ltmp4:
0x299: {  	[tilespmem:v6+s22+$0x0] =	vst.idx.add.f32.msk vm14, v12;
	(pc) =	sbr.rel @p0 .LBB2_1-.Ltmp4, $4  }
0x29a: {  	[hbm4b:s11+s30] =	stream.strided.scatter [tilespmem:s22], [sflag:$0x9], $0x280, s31, s30, $0x38;
	[tilespmem:$0x10280] =	vst v63  }
0x29b: {  	_ =	swait.ge [sflag:s1], $0x280  }
0x29c: {  	[sflag:s1] =	ssyncset.done $0x0  }
0x29d: {  	[sflag:s1] =	ssyncadd.s32 $0xFFFFFD80  }
0x29e: {  	_ =	sfence.sel $0x180000  }
0x29f: {  	[bflag:$0x0] =	sbarrier.arrive $0xFFFF  }
0x2a0: {  	_ =	strace $0x90000047  }
0x2a1: {  	s0 =	stileid.u32;
	[bflag:$0x2] =	sbarrier.arrive $0xFFFF  }
0x2a2: {  	p0 =	sne.s32 s0, $0x0;
	s0 =	rddreg [dreg:$0x3]  }
0x2a3: {  	s0 =	sadd.s32 @!p0 $0x100000, s0  }
0x2a4: {  	[sflag:s0] =	ssyncadd.tile.s32 @!p0 $0x1;
	_ =	shalt  }
.Lfunc_end2:
_tile_overlayer_lowered:
.L_overlay_start_2:
0x2a5: {  	(tag) =	ssettag $0x2  }
0x2a6: {  	s0 =	rddreg [dreg:$0x0];
	s2 =	stileid.u32  }
0x2a7: {  	s1 =	rddreg [dreg:$0x1];
	p0 =	sne.s32 s2, $0x0  }
0x2a8: {  	s3 =	rddreg [dreg:$0x2];
	[bflag:$0x3] =	sbarrier.arrive $0xFFFF;
	s2 =	simm.s32 @!p0 $0x1C09  }
0x2a9: {  	[timem:s3], [sflag:s2] =	dma.local @!p0 [hbm:s0], s1  }
0x2aa: {  	s0 =	simm.s32 @!p0 $0x9  }
0x2ab: {  	_ =	swait.ge @!p0 [sflag:s0], s1  }
0x2ac: {  	s1 =	ssub.s32 @!p0 $0x0, s1;
	[sflag:s0] =	ssyncset.done @!p0 $0x0  }
0x2ad: {  	[sflag:s0] =	ssyncadd.s32 @!p0 s1  }
0x2ae: {  	[bflag:$0x3] =	sbarrier.arrive $0xFFFF  }
0x2af: {  	_ =	shalt  }

</sc_bundles>
